<compile_context>
chip_gen: v7x
topology: tpu7x:2x2x1
jax: 0.10.2.dev20260603
libtpu: 0.0.44.dev20260713+nightly
codegen_flags: <defaults>
</compile_context>

<pallas_src>
import functools

import jax
import jax.numpy as jnp
from jax import lax
from jax.experimental import pallas as pl
from jax.experimental.pallas import tpu as pltpu
from jax.experimental.pallas import tpu_sc as plsc

_N = 10000
_E = 320000
_D = 128
_G = 64

_NT = 16
_PT = 640
_NPN = _NT * _PT
_EPT = _E // _NT
_TBL = 128 * _G


def _matvec_body(x_ref, w_ref, o_ref):
    i = pl.program_id(0)
    h = jnp.dot(x_ref[...], w_ref[...], preferred_element_type=jnp.float32)
    gid = i * _PT + lax.broadcasted_iota(jnp.int32, (_PT, 1), 0)
    o_ref[...] = jnp.where(gid < _N, h, 0.0)


def _tc_matvec(x, W):
    return pl.pallas_call(
        _matvec_body,
        grid=(_NPN // _PT,),
        in_specs=[
            pl.BlockSpec((_PT, _D), lambda i: (i, 0)),
            pl.BlockSpec((_D, 1), lambda i: (0, 0)),
        ],
        out_specs=pl.BlockSpec((_PT, 1), lambda i: (i, 0)),
        out_shape=jax.ShapeDtypeStruct((_NPN, 1), jnp.float32),
    )(x, W)


def _rsqrt16(d):
    i = plsc.bitcast(d, jnp.int32)
    i = jnp.int32(0x5F3759DF) - lax.shift_right_logical(i, 1)
    y = plsc.bitcast(i, jnp.float32)
    for _ in range(3):
        y = y * (1.5 - 0.5 * d * y * y)
    return y


def _sc_body(hp, srcf, dstf, batchp, scores,
             dstv, srcv, valv, hown, dego, diso, selfo, gowno, sowno, sco,
             batchof, sltv, exo, outo, zer, mx, redv, tblv, ssumv,
             sem1, sem2, sem3,
             deg_s, g_s, s_s, red_s, tbl_s, ssum_s):
    s = lax.axis_index("s")
    base = s * _PT
    ebase = s * _EPT

    cp1 = pltpu.async_copy(dstf.at[pl.ds(ebase, _EPT)], dstv, sem1)
    cp2 = pltpu.async_copy(srcf.at[pl.ds(ebase, _EPT)], srcv, sem2)
    cp3 = pltpu.async_copy(hp.at[pl.ds(base, _PT)], hown, sem3)

    def _zero(i, c):
        zer[pl.ds(i * 16, 16)] = jnp.zeros((16,), jnp.float32)
        return c
    lax.fori_loop(0, _PT // 16, _zero, 0)

    pltpu.sync_copy(zer, deg_s.at[pl.ds(base, _PT)])
    pltpu.sync_copy(zer, s_s.at[pl.ds(base, _PT)])
    pltpu.sync_copy(zer.at[pl.ds(0, _TBL // _NT)],
                    tbl_s.at[pl.ds(s * (_TBL // _NT), _TBL // _NT)])

    sixty3 = jnp.full((16,), _G - 1, jnp.int32)

    @pl.when(s < _NT - 1)
    def _():
        pltpu.sync_copy(batchp.at[pl.ds(base, _PT)], batchof)

    @pl.when(s == _NT - 1)
    def _():
        for k in range(15):
            batchof[pl.ds(400 + k * 16, 16)] = sixty3
        pltpu.sync_copy(batchp.at[pl.ds(base, 400)],
                        batchof.at[pl.ds(0, 400)])

    ones16 = jnp.full((16,), 1.0, jnp.float32)

    def _fill_ones(r, c):
        for k in range(8):
            valv[pl.ds(r * 128 + k * 16, 16)] = ones16
        return c
    lax.fori_loop(0, _EPT // 128, _fill_ones, 0)
    for k in range(2):
        valv[pl.ds((_EPT // 128) * 128 + k * 16, 16)] = ones16

    cp1.wait()
    plsc.subcore_barrier()

    pltpu.sync_copy(valv, deg_s.at[dstv], add=True)
    plsc.subcore_barrier()

    pltpu.sync_copy(deg_s.at[pl.ds(base, _PT)], dego)
    cp3.wait()

    def _norm(i, c):
        sl = pl.ds(i * 16, 16)
        d = dego[sl] + 1.0
        y = _rsqrt16(d)
        diso[sl] = y
        selfo[sl] = hown[sl] / d
        gowno[sl] = y * hown[sl]
        return c
    lax.fori_loop(0, _PT // 16, _norm, 0)

    pltpu.sync_copy(gowno, g_s.at[pl.ds(base, _PT)])
    plsc.subcore_barrier()

    cp2.wait()
    eh = _EPT // 2
    ga = pltpu.async_copy(g_s.at[srcv.at[pl.ds(0, eh)]],
                          valv.at[pl.ds(0, eh)], sem1)
    gb = pltpu.async_copy(g_s.at[srcv.at[pl.ds(eh, eh)]],
                          valv.at[pl.ds(eh, eh)], sem2)
    ga.wait()
    sa = pltpu.async_copy(valv.at[pl.ds(0, eh)],
                          s_s.at[dstv.at[pl.ds(0, eh)]], sem3, add=True)
    gb.wait()
    sb = pltpu.async_copy(valv.at[pl.ds(eh, eh)],
                          s_s.at[dstv.at[pl.ds(eh, eh)]], sem1, add=True)
    sa.wait()
    sb.wait()
    plsc.subcore_barrier()

    pltpu.sync_copy(s_s.at[pl.ds(base, _PT)], sowno)

    def _score(i, m):
        sl = pl.ds(i * 16, 16)
        sc = diso[sl] * sowno[sl] + selfo[sl]
        sco[sl] = sc
        gid = base + i * 16 + lax.iota(jnp.int32, 16)
        return jnp.maximum(m, jnp.where(gid < _N, sc, -1e30))
    m = lax.fori_loop(0, _PT // 16, _score, jnp.full((16,), -1e30, jnp.float32))
    mx[...] = m
    pltpu.sync_copy(mx, red_s.at[pl.ds(s * 16, 16)])
    plsc.subcore_barrier()
    pltpu.sync_copy(red_s, redv)
    m2 = jnp.full((16,), -1e30, jnp.float32)
    for k in range(_NT):
        m2 = jnp.maximum(m2, redv[pl.ds(k * 16, 16)])
    gmax = jnp.max(m2)

    def _exp(i, c):
        sl = pl.ds(i * 16, 16)
        gid = base + i * 16 + lax.iota(jnp.int32, 16)
        ex = jnp.exp(sco[sl] - gmax)
        exo[sl] = jnp.where(gid < _N, ex, 0.0)
        lane = (i % 8) * 16 + lax.iota(jnp.int32, 16)
        sltv[sl] = lane * _G + batchof[sl]
        return c
    lax.fori_loop(0, _PT // 16, _exp, 0)

    pltpu.sync_copy(exo, tbl_s.at[sltv], add=True)
    plsc.subcore_barrier()

    @pl.when(s == 0)
    def _():
        pltpu.sync_copy(tbl_s, tblv)

        def _red(k, acc):
            return tuple(
                acc[j] + tblv[pl.ds(k * _G + j * 16, 16)] for j in range(4))
        acc = lax.fori_loop(
            0, 128, _red, tuple(jnp.zeros((16,), jnp.float32) for _ in range(4)))
        for j in range(4):
            ssumv[pl.ds(j * 16, 16)] = acc[j]
        pltpu.sync_copy(ssumv, ssum_s)
    plsc.subcore_barrier()
    pltpu.sync_copy(ssum_s, ssumv)

    def _norm_out(i, c):
        sl = pl.ds(i * 16, 16)
        ss = plsc.load_gather(ssumv, [batchof[sl]])
        outo[sl] = exo[sl] / (ss + 1e-16)
        return c
    lax.fori_loop(0, _PT // 16, _norm_out, 0)
    pltpu.sync_copy(outo, scores.at[pl.ds(base, _PT)])


_sc_call = functools.partial(
    pl.kernel,
    out_type=jax.ShapeDtypeStruct((_NPN,), jnp.float32),
    mesh=plsc.VectorSubcoreMesh(core_axis_name="c", subcore_axis_name="s",
                                num_cores=1),
    compiler_params=pltpu.CompilerParams(needs_layout_passes=False),
    scratch_types=[
        pltpu.VMEM((_EPT,), jnp.int32),
        pltpu.VMEM((_EPT,), jnp.int32),
        pltpu.VMEM((_EPT,), jnp.float32),
        pltpu.VMEM((_PT,), jnp.float32),
        pltpu.VMEM((_PT,), jnp.float32),
        pltpu.VMEM((_PT,), jnp.float32),
        pltpu.VMEM((_PT,), jnp.float32),
        pltpu.VMEM((_PT,), jnp.float32),
        pltpu.VMEM((_PT,), jnp.float32),
        pltpu.VMEM((_PT,), jnp.float32),
        pltpu.VMEM((_PT,), jnp.int32),
        pltpu.VMEM((_PT,), jnp.int32),
        pltpu.VMEM((_PT,), jnp.float32),
        pltpu.VMEM((_PT,), jnp.float32),
        pltpu.VMEM((_PT,), jnp.float32),
        pltpu.VMEM((16,), jnp.float32),
        pltpu.VMEM((_NT * 16,), jnp.float32),
        pltpu.VMEM((_TBL,), jnp.float32),
        pltpu.VMEM((_G,), jnp.float32),
        pltpu.SemaphoreType.DMA,
        pltpu.SemaphoreType.DMA,
        pltpu.SemaphoreType.DMA,
        pltpu.VMEM_SHARED((_NPN,), jnp.float32),
        pltpu.VMEM_SHARED((_NPN,), jnp.float32),
        pltpu.VMEM_SHARED((_NPN,), jnp.float32),
        pltpu.VMEM_SHARED((_NT * 16,), jnp.float32),
        pltpu.VMEM_SHARED((_TBL,), jnp.float32),
        pltpu.VMEM_SHARED((_G,), jnp.float32),
    ],
)(_sc_body)


def kernel(x, edge_index, batch, W, b):
    h = _tc_matvec(x, W).reshape(_NPN)
    scores = _sc_call(h, edge_index[0], edge_index[1], batch)
    scores = scores[:_N].reshape(_N, 1)
    perm = jnp.arange(_N, dtype=jnp.int32)
    return (x, edge_index, batch, perm, scores)

# --- scband reference (transcript-rebuilt; emitter-appended) ---
"""Pipeline reference for scband-custom-node-drop-pooling-layer-76622216561172 (READ-ONLY COPY).

The authoritative reference and input builder live on the scoring server;
editing this copy changes nothing except your own understanding.
"""

import jax, jax.numpy as jnp
import numpy as np

N = 10000
E = 320000
D = 128
NUM_GRAPHS = 64


def setup_inputs(seed: int = 0) -> dict:
    key = jax.random.key(seed)
    k1, k2, k3, k4 = jax.random.split(key, 4)
    x = jax.random.normal(k1, (N, D), dtype=jnp.float32)
    edge_index = jax.random.randint(k2, (2, E), 0, N, dtype=jnp.int32)
    batch = jnp.sort(jax.random.randint(k3, (N,), 0, NUM_GRAPHS, dtype=jnp.int32))
    # GCNConv(in_channels=128, out_channels=1) parameters
    W = jax.random.normal(k4, (D, 1), dtype=jnp.float32) * 0.05
    b = jnp.zeros((1,), dtype=jnp.float32)
    return {"x": x, "edge_index": edge_index, "batch": batch, "W": W, "b": b}


def _gcn_conv(x, edge_index, W, b):
    # Faithful GCNConv: add self-loops, symmetric normalization, scatter-add aggregation
    src = edge_index[0]
    dst = edge_index[1]
    loop = jnp.arange(N, dtype=src.dtype)
    src = jnp.concatenate([src, loop])
    dst = jnp.concatenate([dst, loop])
    ones = jnp.ones(src.shape[0], dtype=jnp.float32)
    deg = jax.ops.segment_sum(ones, dst, num_segments=N)
    deg_inv_sqrt = jnp.where(deg > 0, 1.0 / jnp.sqrt(deg), 0.0)
    norm = deg_inv_sqrt[src] * deg_inv_sqrt[dst]
    h = x @ W  # [N, 1]
    msg = norm[:, None] * h[src]  # gather
    out = jax.ops.segment_sum(msg, dst, num_segments=N)  # scatter-add
    return out + b


def _segment_softmax(scores, batch, num_segments):
    smax = jax.ops.segment_max(scores, batch, num_segments=num_segments)
    shifted = scores - smax[batch]
    ex = jnp.exp(shifted)
    ssum = jax.ops.segment_sum(ex, batch, num_segments=num_segments)
    return ex / (ssum[batch] + 1e-16)


def reference(x, edge_index, batch, W, b):
    scores = _gcn_conv(x, edge_index, W, b)  # [N, 1]
    scores = _segment_softmax(scores, batch, NUM_GRAPHS)
    perm = jnp.arange(N, dtype=jnp.int32)
    # edge_attr is None in this configuration, omitted from the returned tuple
    return (x, edge_index, batch, perm, scores)

if __name__ == "__main__":
    import jax
    _d = setup_inputs()
    print(jax.jit(kernel)(*tuple(_d.values())))

</pallas_src>

<mosaic_0001>
#map = affine_map<(d0, d1) -> (0)>
module attributes {stable_mosaic.version = 14 : i64} {
  func.func @_sc_body(%arg0: i32, %arg1: i32, %arg2: memref<10240xf32, #tpu.memory_space<hbm>>, %arg3: memref<320000xi32, #tpu.memory_space<hbm>>, %arg4: memref<320000xi32, #tpu.memory_space<hbm>>, %arg5: memref<10000xi32, #tpu.memory_space<hbm>>, %arg6: memref<10240xf32, #tpu.memory_space<hbm>>, %arg7: memref<20000xi32, #tpu.memory_space<vmem>>, %arg8: memref<20000xi32, #tpu.memory_space<vmem>>, %arg9: memref<20000xf32, #tpu.memory_space<vmem>>, %arg10: memref<640xf32, #tpu.memory_space<vmem>>, %arg11: memref<640xf32, #tpu.memory_space<vmem>>, %arg12: memref<640xf32, #tpu.memory_space<vmem>>, %arg13: memref<640xf32, #tpu.memory_space<vmem>>, %arg14: memref<640xf32, #tpu.memory_space<vmem>>, %arg15: memref<640xf32, #tpu.memory_space<vmem>>, %arg16: memref<640xf32, #tpu.memory_space<vmem>>, %arg17: memref<640xi32, #tpu.memory_space<vmem>>, %arg18: memref<640xi32, #tpu.memory_space<vmem>>, %arg19: memref<640xf32, #tpu.memory_space<vmem>>, %arg20: memref<640xf32, #tpu.memory_space<vmem>>, %arg21: memref<640xf32, #tpu.memory_space<vmem>>, %arg22: memref<16xf32, #tpu.memory_space<vmem>>, %arg23: memref<256xf32, #tpu.memory_space<vmem>>, %arg24: memref<8192xf32, #tpu.memory_space<vmem>>, %arg25: memref<64xf32, #tpu.memory_space<vmem>>, %arg26: memref<!tpu.dma_semaphore, #tpu.memory_space<semaphore_mem>>, %arg27: memref<!tpu.dma_semaphore, #tpu.memory_space<semaphore_mem>>, %arg28: memref<!tpu.dma_semaphore, #tpu.memory_space<semaphore_mem>>, %arg29: memref<10240xf32, #tpu.memory_space<vmem_shared>>, %arg30: memref<10240xf32, #tpu.memory_space<vmem_shared>>, %arg31: memref<10240xf32, #tpu.memory_space<vmem_shared>>, %arg32: memref<256xf32, #tpu.memory_space<vmem_shared>>, %arg33: memref<8192xf32, #tpu.memory_space<vmem_shared>>, %arg34: memref<64xf32, #tpu.memory_space<vmem_shared>>) attributes {dimension_semantics = [#tpu.dimension_semantics<core_parallel>, #tpu.dimension_semantics<subcore_parallel>], iteration_bounds = array<i64: 1, 16>, scalar_prefetch = 0 : i64, scratch_operands = 28 : i64, tpu.core_type = #tpu.core_type<sc_vector_subcore>, window_params = [{transform_indices = #map}, {transform_indices = #map}, {transform_indices = #map}, {transform_indices = #map}, {transform_indices = #map}]} {
    %mul3A = arith.constant 640 : i32
    %mul3A_0 = arith.muli %arg1, %mul3A : i32
    %mul3A_1 = arith.constant 20000 : i32
    %mul3A_2 = arith.muli %arg1, %mul3A_1 : i32
    %dma_start3A = tpu.memref_slice %arg4[%mul3A_2] : memref<320000xi32, #tpu.memory_space<hbm>> -> memref<20000xi32, #tpu.memory_space<hbm>>
    %dma_start3A_3 = tpu.memref_slice %arg4[%mul3A_2] : memref<320000xi32, #tpu.memory_space<hbm>> -> memref<20000xi32, #tpu.memory_space<hbm>>
    tpu.enqueue_dma source(%dma_start3A_3 : memref<20000xi32, #tpu.memory_space<hbm>>) target(%arg7 : memref<20000xi32, #tpu.memory_space<vmem>>) target_semaphore(%arg26 : memref<!tpu.dma_semaphore, #tpu.memory_space<semaphore_mem>>)
    %dma_start3A_4 = tpu.memref_slice %arg3[%mul3A_2] : memref<320000xi32, #tpu.memory_space<hbm>> -> memref<20000xi32, #tpu.memory_space<hbm>>
    %dma_start3A_5 = tpu.memref_slice %arg3[%mul3A_2] : memref<320000xi32, #tpu.memory_space<hbm>> -> memref<20000xi32, #tpu.memory_space<hbm>>
    tpu.enqueue_dma source(%dma_start3A_5 : memref<20000xi32, #tpu.memory_space<hbm>>) target(%arg8 : memref<20000xi32, #tpu.memory_space<vmem>>) target_semaphore(%arg27 : memref<!tpu.dma_semaphore, #tpu.memory_space<semaphore_mem>>)
    %dma_start3A_6 = tpu.memref_slice %arg2[%mul3A_0] : memref<10240xf32, #tpu.memory_space<hbm>> -> memref<640xf32, #tpu.memory_space<hbm>>
    %dma_start3A_7 = tpu.memref_slice %arg2[%mul3A_0] : memref<10240xf32, #tpu.memory_space<hbm>> -> memref<640xf32, #tpu.memory_space<hbm>>
    tpu.enqueue_dma source(%dma_start3A_7 : memref<640xf32, #tpu.memory_space<hbm>>) target(%arg10 : memref<640xf32, #tpu.memory_space<vmem>>) target_semaphore(%arg28 : memref<!tpu.dma_semaphore, #tpu.memory_space<semaphore_mem>>)
    %scan3A = arith.constant 0 : i32
    %scan3A_8 = arith.constant 0 : i32
    %scan3A_9 = arith.constant 40 : i32
    %scan3A_10 = arith.addi %scan3A_8, %scan3A_9 : i32
    %scan3A_11 = arith.constant 1 : i32
    scf.for %scan3A_178 = %scan3A_8 to %scan3A_10 step %scan3A_11  : i32 {
      %broadcast_in_dim3A_179 = arith.constant 0.000000e+00 : f32
      %broadcast_in_dim3A_180 = vector.broadcast %broadcast_in_dim3A_179 : f32 to vector<16xf32>
      %mul3A_181 = arith.constant 16 : i32
      %mul3A_182 = arith.muli %scan3A_178, %mul3A_181 : i32
      %swap3A_183 = arith.index_cast %mul3A_182 : i32 to index
      %swap3A_184 = tpu.vector_load %arg21[%swap3A_183] {strides = array<i32>} : memref<640xf32, #tpu.memory_space<vmem>>, vector<16xf32>,
      tpu.vector_store %arg21[%swap3A_183], %broadcast_in_dim3A_180 {strides = array<i32>} : memref<640xf32, #tpu.memory_space<vmem>>, vector<16xf32>,
    }
    %scan3A_12 = arith.constant 40 : i32
    "tpu.region"() ({
      %run_scoped3A = tpu.sem_alloc : memref<!tpu.dma_semaphore, #tpu.memory_space<semaphore_mem>>
      %dma_start3A_178 = tpu.memref_slice %arg29[%mul3A_0] : memref<10240xf32, #tpu.memory_space<vmem_shared>> -> memref<640xf32, #tpu.memory_space<vmem_shared>>
      %dma_start3A_179 = tpu.memref_slice %arg29[%mul3A_0] : memref<10240xf32, #tpu.memory_space<vmem_shared>> -> memref<640xf32, #tpu.memory_space<vmem_shared>>
      tpu.enqueue_dma source(%arg21 : memref<640xf32, #tpu.memory_space<vmem>>) target(%dma_start3A_179 : memref<640xf32, #tpu.memory_space<vmem_shared>>) target_semaphore(%run_scoped3A : memref<!tpu.dma_semaphore, #tpu.memory_space<semaphore_mem>>)
      %dma_wait3A_180 = tpu.memref_slice %arg29[%mul3A_0] : memref<10240xf32, #tpu.memory_space<vmem_shared>> -> memref<640xf32, #tpu.memory_space<vmem_shared>>
      %dma_wait3A_181 = tpu.memref_slice %arg29[%mul3A_0] : memref<10240xf32, #tpu.memory_space<vmem_shared>> -> memref<640xf32, #tpu.memory_space<vmem_shared>>
      tpu.wait_dma2 semaphore(%run_scoped3A : memref<!tpu.dma_semaphore, #tpu.memory_space<semaphore_mem>>) src(%arg21 : memref<640xf32, #tpu.memory_space<vmem>>) dst(%dma_wait3A_181 : memref<640xf32, #tpu.memory_space<vmem_shared>>)
      tpu.yield
    }) : () -> ()
    "tpu.region"() ({
      %run_scoped3A = tpu.sem_alloc : memref<!tpu.dma_semaphore, #tpu.memory_space<semaphore_mem>>
      %dma_start3A_178 = tpu.memref_slice %arg31[%mul3A_0] : memref<10240xf32, #tpu.memory_space<vmem_shared>> -> memref<640xf32, #tpu.memory_space<vmem_shared>>
      %dma_start3A_179 = tpu.memref_slice %arg31[%mul3A_0] : memref<10240xf32, #tpu.memory_space<vmem_shared>> -> memref<640xf32, #tpu.memory_space<vmem_shared>>
      tpu.enqueue_dma source(%arg21 : memref<640xf32, #tpu.memory_space<vmem>>) target(%dma_start3A_179 : memref<640xf32, #tpu.memory_space<vmem_shared>>) target_semaphore(%run_scoped3A : memref<!tpu.dma_semaphore, #tpu.memory_space<semaphore_mem>>)
      %dma_wait3A_180 = tpu.memref_slice %arg31[%mul3A_0] : memref<10240xf32, #tpu.memory_space<vmem_shared>> -> memref<640xf32, #tpu.memory_space<vmem_shared>>
      %dma_wait3A_181 = tpu.memref_slice %arg31[%mul3A_0] : memref<10240xf32, #tpu.memory_space<vmem_shared>> -> memref<640xf32, #tpu.memory_space<vmem_shared>>
      tpu.wait_dma2 semaphore(%run_scoped3A : memref<!tpu.dma_semaphore, #tpu.memory_space<semaphore_mem>>) src(%arg21 : memref<640xf32, #tpu.memory_space<vmem>>) dst(%dma_wait3A_181 : memref<640xf32, #tpu.memory_space<vmem_shared>>)
      tpu.yield
    }) : () -> ()
    %mul3A_13 = arith.constant 512 : i32
    %mul3A_14 = arith.muli %arg1, %mul3A_13 : i32
    "tpu.region"() ({
      %run_scoped3A = tpu.sem_alloc : memref<!tpu.dma_semaphore, #tpu.memory_space<semaphore_mem>>
      %dma_start3A_178 = arith.constant 0 : i32
      %dma_start3A_179 = tpu.memref_slice %arg21[%dma_start3A_178] : memref<640xf32, #tpu.memory_space<vmem>> -> memref<512xf32, #tpu.memory_space<vmem>>
      %dma_start3A_180 = tpu.memref_slice %arg33[%mul3A_14] : memref<8192xf32, #tpu.memory_space<vmem_shared>> -> memref<512xf32, #tpu.memory_space<vmem_shared>>
      %dma_start3A_181 = tpu.memref_slice %arg33[%mul3A_14] : memref<8192xf32, #tpu.memory_space<vmem_shared>> -> memref<512xf32, #tpu.memory_space<vmem_shared>>
      %dma_start3A_182 = arith.constant 0 : i32
      %dma_start3A_183 = tpu.memref_slice %arg21[%dma_start3A_182] : memref<640xf32, #tpu.memory_space<vmem>> -> memref<512xf32, #tpu.memory_space<vmem>>
      tpu.enqueue_dma source(%dma_start3A_183 : memref<512xf32, #tpu.memory_space<vmem>>) target(%dma_start3A_181 : memref<512xf32, #tpu.memory_space<vmem_shared>>) target_semaphore(%run_scoped3A : memref<!tpu.dma_semaphore, #tpu.memory_space<semaphore_mem>>)
      %dma_wait3A_184 = arith.constant 0 : i32
      %dma_wait3A_185 = tpu.memref_slice %arg21[%dma_wait3A_184] : memref<640xf32, #tpu.memory_space<vmem>> -> memref<512xf32, #tpu.memory_space<vmem>>
      %dma_wait3A_186 = tpu.memref_slice %arg33[%mul3A_14] : memref<8192xf32, #tpu.memory_space<vmem_shared>> -> memref<512xf32, #tpu.memory_space<vmem_shared>>
      %dma_wait3A_187 = tpu.memref_slice %arg33[%mul3A_14] : memref<8192xf32, #tpu.memory_space<vmem_shared>> -> memref<512xf32, #tpu.memory_space<vmem_shared>>
      %dma_wait3A_188 = arith.constant 0 : i32
      %dma_wait3A_189 = tpu.memref_slice %arg21[%dma_wait3A_188] : memref<640xf32, #tpu.memory_space<vmem>> -> memref<512xf32, #tpu.memory_space<vmem>>
      tpu.wait_dma2 semaphore(%run_scoped3A : memref<!tpu.dma_semaphore, #tpu.memory_space<semaphore_mem>>) src(%dma_wait3A_189 : memref<512xf32, #tpu.memory_space<vmem>>) dst(%dma_wait3A_187 : memref<512xf32, #tpu.memory_space<vmem_shared>>)
      tpu.yield
    }) : () -> ()
    %broadcast_in_dim3A = arith.constant 63 : i32
    %broadcast_in_dim3A_15 = vector.broadcast %broadcast_in_dim3A : i32 to vector<16xi32>
    %lt3A = arith.constant 15 : i32
    %lt3A_16 = arith.cmpi slt, %arg1, %lt3A : i32
    %convert_element_type3A = arith.extui %lt3A_16 : i1 to i32
    %cond3A = arith.constant 0 : i32
    %cond3A_17 = arith.cmpi ne, %convert_element_type3A, %cond3A : i32
    scf.if %cond3A_17 {
      "tpu.region"() ({
        %run_scoped3A = tpu.sem_alloc : memref<!tpu.dma_semaphore, #tpu.memory_space<semaphore_mem>>
        %dma_start3A_178 = tpu.memref_slice %arg5[%mul3A_0] : memref<10000xi32, #tpu.memory_space<hbm>> -> memref<640xi32, #tpu.memory_space<hbm>>
        %dma_start3A_179 = tpu.memref_slice %arg5[%mul3A_0] : memref<10000xi32, #tpu.memory_space<hbm>> -> memref<640xi32, #tpu.memory_space<hbm>>
        tpu.enqueue_dma source(%dma_start3A_179 : memref<640xi32, #tpu.memory_space<hbm>>) target(%arg17 : memref<640xi32, #tpu.memory_space<vmem>>) target_semaphore(%run_scoped3A : memref<!tpu.dma_semaphore, #tpu.memory_space<semaphore_mem>>)
        %dma_wait3A_180 = tpu.memref_slice %arg5[%mul3A_0] : memref<10000xi32, #tpu.memory_space<hbm>> -> memref<640xi32, #tpu.memory_space<hbm>>
        %dma_wait3A_181 = tpu.memref_slice %arg5[%mul3A_0] : memref<10000xi32, #tpu.memory_space<hbm>> -> memref<640xi32, #tpu.memory_space<hbm>>
        tpu.wait_dma2 semaphore(%run_scoped3A : memref<!tpu.dma_semaphore, #tpu.memory_space<semaphore_mem>>) src(%dma_wait3A_181 : memref<640xi32, #tpu.memory_space<hbm>>) dst(%arg17 : memref<640xi32, #tpu.memory_space<vmem>>)
        tpu.yield
      }) : () -> ()
    } else {
    }
    %eq3A = arith.constant 15 : i32
    %eq3A_18 = arith.cmpi eq, %arg1, %eq3A : i32
    %convert_element_type3A_19 = arith.extui %eq3A_18 : i1 to i32
    %cond3A_20 = arith.constant 0 : i32
    %cond3A_21 = arith.cmpi ne, %convert_element_type3A_19, %cond3A_20 : i32
    scf.if %cond3A_21 {
      %swap3A_178 = arith.constant 400 : index
      %swap3A_179 = tpu.vector_load %arg17[%swap3A_178] {strides = array<i32>} : memref<640xi32, #tpu.memory_space<vmem>>, vector<16xi32>,
      tpu.vector_store %arg17[%swap3A_178], %broadcast_in_dim3A_15 {strides = array<i32>} : memref<640xi32, #tpu.memory_space<vmem>>, vector<16xi32>,
      %swap3A_180 = arith.constant 416 : index
      %swap3A_181 = tpu.vector_load %arg17[%swap3A_180] {strides = array<i32>} : memref<640xi32, #tpu.memory_space<vmem>>, vector<16xi32>,
      tpu.vector_store %arg17[%swap3A_180], %broadcast_in_dim3A_15 {strides = array<i32>} : memref<640xi32, #tpu.memory_space<vmem>>, vector<16xi32>,
      %swap3A_182 = arith.constant 432 : index
      %swap3A_183 = tpu.vector_load %arg17[%swap3A_182] {strides = array<i32>} : memref<640xi32, #tpu.memory_space<vmem>>, vector<16xi32>,
      tpu.vector_store %arg17[%swap3A_182], %broadcast_in_dim3A_15 {strides = array<i32>} : memref<640xi32, #tpu.memory_space<vmem>>, vector<16xi32>,
      %swap3A_184 = arith.constant 448 : index
      %swap3A_185 = tpu.vector_load %arg17[%swap3A_184] {strides = array<i32>} : memref<640xi32, #tpu.memory_space<vmem>>, vector<16xi32>,
      tpu.vector_store %arg17[%swap3A_184], %broadcast_in_dim3A_15 {strides = array<i32>} : memref<640xi32, #tpu.memory_space<vmem>>, vector<16xi32>,
      %swap3A_186 = arith.constant 464 : index
      %swap3A_187 = tpu.vector_load %arg17[%swap3A_186] {strides = array<i32>} : memref<640xi32, #tpu.memory_space<vmem>>, vector<16xi32>,
      tpu.vector_store %arg17[%swap3A_186], %broadcast_in_dim3A_15 {strides = array<i32>} : memref<640xi32, #tpu.memory_space<vmem>>, vector<16xi32>,
      %swap3A_188 = arith.constant 480 : index
      %swap3A_189 = tpu.vector_load %arg17[%swap3A_188] {strides = array<i32>} : memref<640xi32, #tpu.memory_space<vmem>>, vector<16xi32>,
      tpu.vector_store %arg17[%swap3A_188], %broadcast_in_dim3A_15 {strides = array<i32>} : memref<640xi32, #tpu.memory_space<vmem>>, vector<16xi32>,
      %swap3A_190 = arith.constant 496 : index
      %swap3A_191 = tpu.vector_load %arg17[%swap3A_190] {strides = array<i32>} : memref<640xi32, #tpu.memory_space<vmem>>, vector<16xi32>,
      tpu.vector_store %arg17[%swap3A_190], %broadcast_in_dim3A_15 {strides = array<i32>} : memref<640xi32, #tpu.memory_space<vmem>>, vector<16xi32>,
      %swap3A_192 = arith.constant 512 : index
      %swap3A_193 = tpu.vector_load %arg17[%swap3A_192] {strides = array<i32>} : memref<640xi32, #tpu.memory_space<vmem>>, vector<16xi32>,
      tpu.vector_store %arg17[%swap3A_192], %broadcast_in_dim3A_15 {strides = array<i32>} : memref<640xi32, #tpu.memory_space<vmem>>, vector<16xi32>,
      %swap3A_194 = arith.constant 528 : index
      %swap3A_195 = tpu.vector_load %arg17[%swap3A_194] {strides = array<i32>} : memref<640xi32, #tpu.memory_space<vmem>>, vector<16xi32>,
      tpu.vector_store %arg17[%swap3A_194], %broadcast_in_dim3A_15 {strides = array<i32>} : memref<640xi32, #tpu.memory_space<vmem>>, vector<16xi32>,
      %swap3A_196 = arith.constant 544 : index
      %swap3A_197 = tpu.vector_load %arg17[%swap3A_196] {strides = array<i32>} : memref<640xi32, #tpu.memory_space<vmem>>, vector<16xi32>,
      tpu.vector_store %arg17[%swap3A_196], %broadcast_in_dim3A_15 {strides = array<i32>} : memref<640xi32, #tpu.memory_space<vmem>>, vector<16xi32>,
      %swap3A_198 = arith.constant 560 : index
      %swap3A_199 = tpu.vector_load %arg17[%swap3A_198] {strides = array<i32>} : memref<640xi32, #tpu.memory_space<vmem>>, vector<16xi32>,
      tpu.vector_store %arg17[%swap3A_198], %broadcast_in_dim3A_15 {strides = array<i32>} : memref<640xi32, #tpu.memory_space<vmem>>, vector<16xi32>,
      %swap3A_200 = arith.constant 576 : index
      %swap3A_201 = tpu.vector_load %arg17[%swap3A_200] {strides = array<i32>} : memref<640xi32, #tpu.memory_space<vmem>>, vector<16xi32>,
      tpu.vector_store %arg17[%swap3A_200], %broadcast_in_dim3A_15 {strides = array<i32>} : memref<640xi32, #tpu.memory_space<vmem>>, vector<16xi32>,
      %swap3A_202 = arith.constant 592 : index
      %swap3A_203 = tpu.vector_load %arg17[%swap3A_202] {strides = array<i32>} : memref<640xi32, #tpu.memory_space<vmem>>, vector<16xi32>,
      tpu.vector_store %arg17[%swap3A_202], %broadcast_in_dim3A_15 {strides = array<i32>} : memref<640xi32, #tpu.memory_space<vmem>>, vector<16xi32>,
      %swap3A_204 = arith.constant 608 : index
      %swap3A_205 = tpu.vector_load %arg17[%swap3A_204] {strides = array<i32>} : memref<640xi32, #tpu.memory_space<vmem>>, vector<16xi32>,
      tpu.vector_store %arg17[%swap3A_204], %broadcast_in_dim3A_15 {strides = array<i32>} : memref<640xi32, #tpu.memory_space<vmem>>, vector<16xi32>,
      %swap3A_206 = arith.constant 624 : index
      %swap3A_207 = tpu.vector_load %arg17[%swap3A_206] {strides = array<i32>} : memref<640xi32, #tpu.memory_space<vmem>>, vector<16xi32>,
      tpu.vector_store %arg17[%swap3A_206], %broadcast_in_dim3A_15 {strides = array<i32>} : memref<640xi32, #tpu.memory_space<vmem>>, vector<16xi32>,
      "tpu.region"() ({
        %run_scoped3A = tpu.sem_alloc : memref<!tpu.dma_semaphore, #tpu.memory_space<semaphore_mem>>
        %dma_start3A_208 = arith.constant 0 : i32
        %dma_start3A_209 = tpu.memref_slice %arg17[%dma_start3A_208] : memref<640xi32, #tpu.memory_space<vmem>> -> memref<400xi32, #tpu.memory_space<vmem>>
        %dma_start3A_210 = tpu.memref_slice %arg5[%mul3A_0] : memref<10000xi32, #tpu.memory_space<hbm>> -> memref<400xi32, #tpu.memory_space<hbm>>
        %dma_start3A_211 = arith.constant 0 : i32
        %dma_start3A_212 = tpu.memref_slice %arg17[%dma_start3A_211] : memref<640xi32, #tpu.memory_space<vmem>> -> memref<400xi32, #tpu.memory_space<vmem>>
        %dma_start3A_213 = tpu.memref_slice %arg5[%mul3A_0] : memref<10000xi32, #tpu.memory_space<hbm>> -> memref<400xi32, #tpu.memory_space<hbm>>
        tpu.enqueue_dma source(%dma_start3A_213 : memref<400xi32, #tpu.memory_space<hbm>>) target(%dma_start3A_212 : memref<400xi32, #tpu.memory_space<vmem>>) target_semaphore(%run_scoped3A : memref<!tpu.dma_semaphore, #tpu.memory_space<semaphore_mem>>)
        %dma_wait3A_214 = arith.constant 0 : i32
        %dma_wait3A_215 = tpu.memref_slice %arg17[%dma_wait3A_214] : memref<640xi32, #tpu.memory_space<vmem>> -> memref<400xi32, #tpu.memory_space<vmem>>
        %dma_wait3A_216 = tpu.memref_slice %arg5[%mul3A_0] : memref<10000xi32, #tpu.memory_space<hbm>> -> memref<400xi32, #tpu.memory_space<hbm>>
        %dma_wait3A_217 = arith.constant 0 : i32
        %dma_wait3A_218 = tpu.memref_slice %arg17[%dma_wait3A_217] : memref<640xi32, #tpu.memory_space<vmem>> -> memref<400xi32, #tpu.memory_space<vmem>>
        %dma_wait3A_219 = tpu.memref_slice %arg5[%mul3A_0] : memref<10000xi32, #tpu.memory_space<hbm>> -> memref<400xi32, #tpu.memory_space<hbm>>
        tpu.wait_dma2 semaphore(%run_scoped3A : memref<!tpu.dma_semaphore, #tpu.memory_space<semaphore_mem>>) src(%dma_wait3A_219 : memref<400xi32, #tpu.memory_space<hbm>>) dst(%dma_wait3A_218 : memref<400xi32, #tpu.memory_space<vmem>>)
        tpu.yield
      }) : () -> ()
    } else {
    }
    %broadcast_in_dim3A_22 = arith.constant 1.000000e+00 : f32
    %broadcast_in_dim3A_23 = vector.broadcast %broadcast_in_dim3A_22 : f32 to vector<16xf32>
    %scan3A_24 = arith.constant 0 : i32
    %scan3A_25 = arith.constant 0 : i32
    %scan3A_26 = arith.constant 156 : i32
    %scan3A_27 = arith.addi %scan3A_25, %scan3A_26 : i32
    %scan3A_28 = arith.constant 1 : i32
    scf.for %scan3A_178 = %scan3A_25 to %scan3A_27 step %scan3A_28  : i32 {
      %mul3A_179 = arith.constant 128 : i32
      %mul3A_180 = arith.muli %scan3A_178, %mul3A_179 : i32
      %add3A = arith.constant 0 : i32
      %add3A_181 = arith.addi %mul3A_180, %add3A : i32
      %swap3A_182 = arith.index_cast %add3A_181 : i32 to index
      %swap3A_183 = tpu.vector_load %arg9[%swap3A_182] {strides = array<i32>} : memref<20000xf32, #tpu.memory_space<vmem>>, vector<16xf32>,
      tpu.vector_store %arg9[%swap3A_182], %broadcast_in_dim3A_23 {strides = array<i32>} : memref<20000xf32, #tpu.memory_space<vmem>>, vector<16xf32>,
      %mul3A_184 = arith.constant 128 : i32
      %mul3A_185 = arith.muli %scan3A_178, %mul3A_184 : i32
      %add3A_186 = arith.constant 16 : i32
      %add3A_187 = arith.addi %mul3A_185, %add3A_186 : i32
      %swap3A_188 = arith.index_cast %add3A_187 : i32 to index
      %swap3A_189 = tpu.vector_load %arg9[%swap3A_188] {strides = array<i32>} : memref<20000xf32, #tpu.memory_space<vmem>>, vector<16xf32>,
      tpu.vector_store %arg9[%swap3A_188], %broadcast_in_dim3A_23 {strides = array<i32>} : memref<20000xf32, #tpu.memory_space<vmem>>, vector<16xf32>,
      %mul3A_190 = arith.constant 128 : i32
      %mul3A_191 = arith.muli %scan3A_178, %mul3A_190 : i32
      %add3A_192 = arith.constant 32 : i32
      %add3A_193 = arith.addi %mul3A_191, %add3A_192 : i32
      %swap3A_194 = arith.index_cast %add3A_193 : i32 to index
      %swap3A_195 = tpu.vector_load %arg9[%swap3A_194] {strides = array<i32>} : memref<20000xf32, #tpu.memory_space<vmem>>, vector<16xf32>,
      tpu.vector_store %arg9[%swap3A_194], %broadcast_in_dim3A_23 {strides = array<i32>} : memref<20000xf32, #tpu.memory_space<vmem>>, vector<16xf32>,
      %mul3A_196 = arith.constant 128 : i32
      %mul3A_197 = arith.muli %scan3A_178, %mul3A_196 : i32
      %add3A_198 = arith.constant 48 : i32
      %add3A_199 = arith.addi %mul3A_197, %add3A_198 : i32
      %swap3A_200 = arith.index_cast %add3A_199 : i32 to index
      %swap3A_201 = tpu.vector_load %arg9[%swap3A_200] {strides = array<i32>} : memref<20000xf32, #tpu.memory_space<vmem>>, vector<16xf32>,
      tpu.vector_store %arg9[%swap3A_200], %broadcast_in_dim3A_23 {strides = array<i32>} : memref<20000xf32, #tpu.memory_space<vmem>>, vector<16xf32>,
      %mul3A_202 = arith.constant 128 : i32
      %mul3A_203 = arith.muli %scan3A_178, %mul3A_202 : i32
      %add3A_204 = arith.constant 64 : i32
      %add3A_205 = arith.addi %mul3A_203, %add3A_204 : i32
      %swap3A_206 = arith.index_cast %add3A_205 : i32 to index
      %swap3A_207 = tpu.vector_load %arg9[%swap3A_206] {strides = array<i32>} : memref<20000xf32, #tpu.memory_space<vmem>>, vector<16xf32>,
      tpu.vector_store %arg9[%swap3A_206], %broadcast_in_dim3A_23 {strides = array<i32>} : memref<20000xf32, #tpu.memory_space<vmem>>, vector<16xf32>,
      %mul3A_208 = arith.constant 128 : i32
      %mul3A_209 = arith.muli %scan3A_178, %mul3A_208 : i32
      %add3A_210 = arith.constant 80 : i32
      %add3A_211 = arith.addi %mul3A_209, %add3A_210 : i32
      %swap3A_212 = arith.index_cast %add3A_211 : i32 to index
      %swap3A_213 = tpu.vector_load %arg9[%swap3A_212] {strides = array<i32>} : memref<20000xf32, #tpu.memory_space<vmem>>, vector<16xf32>,
      tpu.vector_store %arg9[%swap3A_212], %broadcast_in_dim3A_23 {strides = array<i32>} : memref<20000xf32, #tpu.memory_space<vmem>>, vector<16xf32>,
      %mul3A_214 = arith.constant 128 : i32
      %mul3A_215 = arith.muli %scan3A_178, %mul3A_214 : i32
      %add3A_216 = arith.constant 96 : i32
      %add3A_217 = arith.addi %mul3A_215, %add3A_216 : i32
      %swap3A_218 = arith.index_cast %add3A_217 : i32 to index
      %swap3A_219 = tpu.vector_load %arg9[%swap3A_218] {strides = array<i32>} : memref<20000xf32, #tpu.memory_space<vmem>>, vector<16xf32>,
      tpu.vector_store %arg9[%swap3A_218], %broadcast_in_dim3A_23 {strides = array<i32>} : memref<20000xf32, #tpu.memory_space<vmem>>, vector<16xf32>,
      %mul3A_220 = arith.constant 128 : i32
      %mul3A_221 = arith.muli %scan3A_178, %mul3A_220 : i32
      %add3A_222 = arith.constant 112 : i32
      %add3A_223 = arith.addi %mul3A_221, %add3A_222 : i32
      %swap3A_224 = arith.index_cast %add3A_223 : i32 to index
      %swap3A_225 = tpu.vector_load %arg9[%swap3A_224] {strides = array<i32>} : memref<20000xf32, #tpu.memory_space<vmem>>, vector<16xf32>,
      tpu.vector_store %arg9[%swap3A_224], %broadcast_in_dim3A_23 {strides = array<i32>} : memref<20000xf32, #tpu.memory_space<vmem>>, vector<16xf32>,
    }
    %scan3A_29 = arith.constant 156 : i32
    %swap3A = arith.constant 19968 : index
    %swap3A_30 = tpu.vector_load %arg9[%swap3A] {strides = array<i32>} : memref<20000xf32, #tpu.memory_space<vmem>>, vector<16xf32>,
    tpu.vector_store %arg9[%swap3A], %broadcast_in_dim3A_23 {strides = array<i32>} : memref<20000xf32, #tpu.memory_space<vmem>>, vector<16xf32>,
    %swap3A_31 = arith.constant 19984 : index
    %swap3A_32 = tpu.vector_load %arg9[%swap3A_31] {strides = array<i32>} : memref<20000xf32, #tpu.memory_space<vmem>>, vector<16xf32>,
    tpu.vector_store %arg9[%swap3A_31], %broadcast_in_dim3A_23 {strides = array<i32>} : memref<20000xf32, #tpu.memory_space<vmem>>, vector<16xf32>,
    %dma_wait3A = tpu.memref_slice %arg4[%mul3A_2] : memref<320000xi32, #tpu.memory_space<hbm>> -> memref<20000xi32, #tpu.memory_space<hbm>>
    %dma_wait3A_33 = tpu.memref_slice %arg4[%mul3A_2] : memref<320000xi32, #tpu.memory_space<hbm>> -> memref<20000xi32, #tpu.memory_space<hbm>>
    tpu.wait_dma2 semaphore(%arg26 : memref<!tpu.dma_semaphore, #tpu.memory_space<semaphore_mem>>) src(%dma_wait3A_33 : memref<20000xi32, #tpu.memory_space<hbm>>) dst(%arg7 : memref<20000xi32, #tpu.memory_space<vmem>>)
    %barrier3A = arith.constant 0 : index
    tpu.barrier barrier_id(%barrier3A)
    "tpu.region"() ({
      %run_scoped3A = tpu.sem_alloc : memref<!tpu.dma_semaphore, #tpu.memory_space<semaphore_mem>>
      %dma_start3A_178 = arith.constant 0 : i32
      %dma_start3A_179 = tpu.memref_slice %arg29[%dma_start3A_178] : memref<10240xf32, #tpu.memory_space<vmem_shared>> -> memref<10240xf32, #tpu.memory_space<vmem_shared>>
      tpu.enqueue_indirect_dma source(%arg9 : memref<20000xf32, #tpu.memory_space<vmem>>) target(%dma_start3A_179 : memref<10240xf32, #tpu.memory_space<vmem_shared>>) offsets(%arg7 : memref<20000xi32, #tpu.memory_space<vmem>>) semaphore(%run_scoped3A : memref<!tpu.dma_semaphore, #tpu.memory_space<semaphore_mem>>) {add = true}
      %dma_wait3A_180 = arith.constant 0 : i32
      %dma_wait3A_181 = tpu.memref_slice %arg29[%dma_wait3A_180] : memref<10240xf32, #tpu.memory_space<vmem_shared>> -> memref<10240xf32, #tpu.memory_space<vmem_shared>>
      tpu.wait_indirect_dma semaphore(%run_scoped3A : memref<!tpu.dma_semaphore, #tpu.memory_space<semaphore_mem>>) src(%arg9 : memref<20000xf32, #tpu.memory_space<vmem>>) dst(%dma_wait3A_181 : memref<10240xf32, #tpu.memory_space<vmem_shared>>)
      tpu.yield
    }) : () -> ()
    %barrier3A_34 = arith.constant 0 : index
    tpu.barrier barrier_id(%barrier3A_34)
    "tpu.region"() ({
      %run_scoped3A = tpu.sem_alloc : memref<!tpu.dma_semaphore, #tpu.memory_space<semaphore_mem>>
      %dma_start3A_178 = tpu.memref_slice %arg29[%mul3A_0] : memref<10240xf32, #tpu.memory_space<vmem_shared>> -> memref<640xf32, #tpu.memory_space<vmem_shared>>
      %dma_start3A_179 = tpu.memref_slice %arg29[%mul3A_0] : memref<10240xf32, #tpu.memory_space<vmem_shared>> -> memref<640xf32, #tpu.memory_space<vmem_shared>>
      tpu.enqueue_dma source(%dma_start3A_179 : memref<640xf32, #tpu.memory_space<vmem_shared>>) target(%arg11 : memref<640xf32, #tpu.memory_space<vmem>>) target_semaphore(%run_scoped3A : memref<!tpu.dma_semaphore, #tpu.memory_space<semaphore_mem>>)
      %dma_wait3A_180 = tpu.memref_slice %arg29[%mul3A_0] : memref<10240xf32, #tpu.memory_space<vmem_shared>> -> memref<640xf32, #tpu.memory_space<vmem_shared>>
      %dma_wait3A_181 = tpu.memref_slice %arg29[%mul3A_0] : memref<10240xf32, #tpu.memory_space<vmem_shared>> -> memref<640xf32, #tpu.memory_space<vmem_shared>>
      tpu.wait_dma2 semaphore(%run_scoped3A : memref<!tpu.dma_semaphore, #tpu.memory_space<semaphore_mem>>) src(%dma_wait3A_181 : memref<640xf32, #tpu.memory_space<vmem_shared>>) dst(%arg11 : memref<640xf32, #tpu.memory_space<vmem>>)
      tpu.yield
    }) : () -> ()
    %dma_wait3A_35 = tpu.memref_slice %arg2[%mul3A_0] : memref<10240xf32, #tpu.memory_space<hbm>> -> memref<640xf32, #tpu.memory_space<hbm>>
    %dma_wait3A_36 = tpu.memref_slice %arg2[%mul3A_0] : memref<10240xf32, #tpu.memory_space<hbm>> -> memref<640xf32, #tpu.memory_space<hbm>>
    tpu.wait_dma2 semaphore(%arg28 : memref<!tpu.dma_semaphore, #tpu.memory_space<semaphore_mem>>) src(%dma_wait3A_36 : memref<640xf32, #tpu.memory_space<hbm>>) dst(%arg10 : memref<640xf32, #tpu.memory_space<vmem>>)
    %scan3A_37 = arith.constant 0 : i32
    %scan3A_38 = arith.constant 0 : i32
    %scan3A_39 = arith.constant 40 : i32
    %scan3A_40 = arith.addi %scan3A_38, %scan3A_39 : i32
    %scan3A_41 = arith.constant 1 : i32
    scf.for %scan3A_178 = %scan3A_38 to %scan3A_40 step %scan3A_41  : i32 {
      %mul3A_179 = arith.constant 16 : i32
      %mul3A_180 = arith.muli %scan3A_178, %mul3A_179 : i32
      %get3A_181 = arith.index_cast %mul3A_180 : i32 to index
      %get3A_182 = tpu.vector_load %arg11[%get3A_181] {strides = array<i32>} : memref<640xf32, #tpu.memory_space<vmem>>, vector<16xf32>,
      %add3A = arith.constant 1.000000e+00 : f32
      %add3A_183 = vector.broadcast %add3A : f32 to vector<16xf32>
      %add3A_184 = arith.addf %get3A_182, %add3A_183 : vector<16xf32>
      %bitcast3A = vector.bitcast %add3A_184 : vector<16xf32> to vector<16xi32>
      %shift_right_logical3A = arith.constant 1 : i32
      %shift_right_logical3A_185 = vector.broadcast %shift_right_logical3A : i32 to vector<16xi32>
      %shift_right_logical3A_186 = arith.shrui %bitcast3A, %shift_right_logical3A_185 : vector<16xi32>
      %sub3A = arith.constant 1597463007 : i32
      %sub3A_187 = vector.broadcast %sub3A : i32 to vector<16xi32>
      %sub3A_188 = arith.subi %sub3A_187, %shift_right_logical3A_186 : vector<16xi32>
      %bitcast3A_189 = vector.bitcast %sub3A_188 : vector<16xi32> to vector<16xf32>
      %mul3A_190 = arith.constant 5.000000e-01 : f32
      %mul3A_191 = vector.broadcast %mul3A_190 : f32 to vector<16xf32>
      %mul3A_192 = arith.mulf %mul3A_191, %add3A_184 : vector<16xf32>
      %mul3A_193 = arith.mulf %mul3A_192, %bitcast3A_189 : vector<16xf32>
      %mul3A_194 = arith.mulf %mul3A_193, %bitcast3A_189 : vector<16xf32>
      %sub3A_195 = arith.constant 1.500000e+00 : f32
      %sub3A_196 = vector.broadcast %sub3A_195 : f32 to vector<16xf32>
      %sub3A_197 = arith.subf %sub3A_196, %mul3A_194 : vector<16xf32>
      %mul3A_198 = arith.mulf %bitcast3A_189, %sub3A_197 : vector<16xf32>
      %mul3A_199 = arith.constant 5.000000e-01 : f32
      %mul3A_200 = vector.broadcast %mul3A_199 : f32 to vector<16xf32>
      %mul3A_201 = arith.mulf %mul3A_200, %add3A_184 : vector<16xf32>
      %mul3A_202 = arith.mulf %mul3A_201, %mul3A_198 : vector<16xf32>
      %mul3A_203 = arith.mulf %mul3A_202, %mul3A_198 : vector<16xf32>
      %sub3A_204 = arith.constant 1.500000e+00 : f32
      %sub3A_205 = vector.broadcast %sub3A_204 : f32 to vector<16xf32>
      %sub3A_206 = arith.subf %sub3A_205, %mul3A_203 : vector<16xf32>
      %mul3A_207 = arith.mulf %mul3A_198, %sub3A_206 : vector<16xf32>
      %mul3A_208 = arith.constant 5.000000e-01 : f32
      %mul3A_209 = vector.broadcast %mul3A_208 : f32 to vector<16xf32>
      %mul3A_210 = arith.mulf %mul3A_209, %add3A_184 : vector<16xf32>
      %mul3A_211 = arith.mulf %mul3A_210, %mul3A_207 : vector<16xf32>
      %mul3A_212 = arith.mulf %mul3A_211, %mul3A_207 : vector<16xf32>
      %sub3A_213 = arith.constant 1.500000e+00 : f32
      %sub3A_214 = vector.broadcast %sub3A_213 : f32 to vector<16xf32>
      %sub3A_215 = arith.subf %sub3A_214, %mul3A_212 : vector<16xf32>
      %mul3A_216 = arith.mulf %mul3A_207, %sub3A_215 : vector<16xf32>
      %swap3A_217 = arith.index_cast %mul3A_180 : i32 to index
      %swap3A_218 = tpu.vector_load %arg12[%swap3A_217] {strides = array<i32>} : memref<640xf32, #tpu.memory_space<vmem>>, vector<16xf32>,
      tpu.vector_store %arg12[%swap3A_217], %mul3A_216 {strides = array<i32>} : memref<640xf32, #tpu.memory_space<vmem>>, vector<16xf32>,
      %get3A_219 = arith.index_cast %mul3A_180 : i32 to index
      %get3A_220 = tpu.vector_load %arg10[%get3A_219] {strides = array<i32>} : memref<640xf32, #tpu.memory_space<vmem>>, vector<16xf32>,
      %div3A = arith.divf %get3A_220, %add3A_184 : vector<16xf32>
      %swap3A_221 = arith.index_cast %mul3A_180 : i32 to index
      %swap3A_222 = tpu.vector_load %arg13[%swap3A_221] {strides = array<i32>} : memref<640xf32, #tpu.memory_space<vmem>>, vector<16xf32>,
      tpu.vector_store %arg13[%swap3A_221], %div3A {strides = array<i32>} : memref<640xf32, #tpu.memory_space<vmem>>, vector<16xf32>,
      %get3A_223 = arith.index_cast %mul3A_180 : i32 to index
      %get3A_224 = tpu.vector_load %arg10[%get3A_223] {strides = array<i32>} : memref<640xf32, #tpu.memory_space<vmem>>, vector<16xf32>,
      %mul3A_225 = arith.mulf %mul3A_216, %get3A_224 : vector<16xf32>
      %swap3A_226 = arith.index_cast %mul3A_180 : i32 to index
      %swap3A_227 = tpu.vector_load %arg14[%swap3A_226] {strides = array<i32>} : memref<640xf32, #tpu.memory_space<vmem>>, vector<16xf32>,
      tpu.vector_store %arg14[%swap3A_226], %mul3A_225 {strides = array<i32>} : memref<640xf32, #tpu.memory_space<vmem>>, vector<16xf32>,
    }
    %scan3A_42 = arith.constant 40 : i32
    "tpu.region"() ({
      %run_scoped3A = tpu.sem_alloc : memref<!tpu.dma_semaphore, #tpu.memory_space<semaphore_mem>>
      %dma_start3A_178 = tpu.memref_slice %arg30[%mul3A_0] : memref<10240xf32, #tpu.memory_space<vmem_shared>> -> memref<640xf32, #tpu.memory_space<vmem_shared>>
      %dma_start3A_179 = tpu.memref_slice %arg30[%mul3A_0] : memref<10240xf32, #tpu.memory_space<vmem_shared>> -> memref<640xf32, #tpu.memory_space<vmem_shared>>
      tpu.enqueue_dma source(%arg14 : memref<640xf32, #tpu.memory_space<vmem>>) target(%dma_start3A_179 : memref<640xf32, #tpu.memory_space<vmem_shared>>) target_semaphore(%run_scoped3A : memref<!tpu.dma_semaphore, #tpu.memory_space<semaphore_mem>>)
      %dma_wait3A_180 = tpu.memref_slice %arg30[%mul3A_0] : memref<10240xf32, #tpu.memory_space<vmem_shared>> -> memref<640xf32, #tpu.memory_space<vmem_shared>>
      %dma_wait3A_181 = tpu.memref_slice %arg30[%mul3A_0] : memref<10240xf32, #tpu.memory_space<vmem_shared>> -> memref<640xf32, #tpu.memory_space<vmem_shared>>
      tpu.wait_dma2 semaphore(%run_scoped3A : memref<!tpu.dma_semaphore, #tpu.memory_space<semaphore_mem>>) src(%arg14 : memref<640xf32, #tpu.memory_space<vmem>>) dst(%dma_wait3A_181 : memref<640xf32, #tpu.memory_space<vmem_shared>>)
      tpu.yield
    }) : () -> ()
    %barrier3A_43 = arith.constant 0 : index
    tpu.barrier barrier_id(%barrier3A_43)
    %dma_wait3A_44 = tpu.memref_slice %arg3[%mul3A_2] : memref<320000xi32, #tpu.memory_space<hbm>> -> memref<20000xi32, #tpu.memory_space<hbm>>
    %dma_wait3A_45 = tpu.memref_slice %arg3[%mul3A_2] : memref<320000xi32, #tpu.memory_space<hbm>> -> memref<20000xi32, #tpu.memory_space<hbm>>
    tpu.wait_dma2 semaphore(%arg27 : memref<!tpu.dma_semaphore, #tpu.memory_space<semaphore_mem>>) src(%dma_wait3A_45 : memref<20000xi32, #tpu.memory_space<hbm>>) dst(%arg8 : memref<20000xi32, #tpu.memory_space<vmem>>)
    %dma_start3A_46 = arith.constant 0 : i32
    %dma_start3A_47 = tpu.memref_slice %arg9[%dma_start3A_46] : memref<20000xf32, #tpu.memory_space<vmem>> -> memref<10000xf32, #tpu.memory_space<vmem>>
    %dma_start3A_48 = arith.constant 0 : i32
    %dma_start3A_49 = tpu.memref_slice %arg8[%dma_start3A_48] : memref<20000xi32, #tpu.memory_space<vmem>> -> memref<10000xi32, #tpu.memory_space<vmem>>
    %dma_start3A_50 = arith.constant 0 : i32
    %dma_start3A_51 = tpu.memref_slice %arg30[%dma_start3A_50] : memref<10240xf32, #tpu.memory_space<vmem_shared>> -> memref<10240xf32, #tpu.memory_space<vmem_shared>>
    tpu.enqueue_indirect_dma source(%dma_start3A_51 : memref<10240xf32, #tpu.memory_space<vmem_shared>>) target(%dma_start3A_47 : memref<10000xf32, #tpu.memory_space<vmem>>) offsets(%dma_start3A_49 : memref<10000xi32, #tpu.memory_space<vmem>>) semaphore(%arg26 : memref<!tpu.dma_semaphore, #tpu.memory_space<semaphore_mem>>)
    %dma_start3A_52 = arith.constant 10000 : i32
    %dma_start3A_53 = tpu.memref_slice %arg9[%dma_start3A_52] : memref<20000xf32, #tpu.memory_space<vmem>> -> memref<10000xf32, #tpu.memory_space<vmem>>
    %dma_start3A_54 = arith.constant 10000 : i32
    %dma_start3A_55 = tpu.memref_slice %arg8[%dma_start3A_54] : memref<20000xi32, #tpu.memory_space<vmem>> -> memref<10000xi32, #tpu.memory_space<vmem>>
    %dma_start3A_56 = arith.constant 0 : i32
    %dma_start3A_57 = tpu.memref_slice %arg30[%dma_start3A_56] : memref<10240xf32, #tpu.memory_space<vmem_shared>> -> memref<10240xf32, #tpu.memory_space<vmem_shared>>
    tpu.enqueue_indirect_dma source(%dma_start3A_57 : memref<10240xf32, #tpu.memory_space<vmem_shared>>) target(%dma_start3A_53 : memref<10000xf32, #tpu.memory_space<vmem>>) offsets(%dma_start3A_55 : memref<10000xi32, #tpu.memory_space<vmem>>) semaphore(%arg27 : memref<!tpu.dma_semaphore, #tpu.memory_space<semaphore_mem>>)
    %dma_wait3A_58 = arith.constant 0 : i32
    %dma_wait3A_59 = tpu.memref_slice %arg9[%dma_wait3A_58] : memref<20000xf32, #tpu.memory_space<vmem>> -> memref<10000xf32, #tpu.memory_space<vmem>>
    %dma_wait3A_60 = arith.constant 0 : i32
    %dma_wait3A_61 = tpu.memref_slice %arg8[%dma_wait3A_60] : memref<20000xi32, #tpu.memory_space<vmem>> -> memref<10000xi32, #tpu.memory_space<vmem>>
    %dma_wait3A_62 = arith.constant 0 : i32
    %dma_wait3A_63 = tpu.memref_slice %arg30[%dma_wait3A_62] : memref<10240xf32, #tpu.memory_space<vmem_shared>> -> memref<10240xf32, #tpu.memory_space<vmem_shared>>
    tpu.wait_indirect_dma semaphore(%arg26 : memref<!tpu.dma_semaphore, #tpu.memory_space<semaphore_mem>>) src(%dma_wait3A_63 : memref<10240xf32, #tpu.memory_space<vmem_shared>>) dst(%dma_wait3A_59 : memref<10000xf32, #tpu.memory_space<vmem>>)
    %dma_start3A_64 = arith.constant 0 : i32
    %dma_start3A_65 = tpu.memref_slice %arg9[%dma_start3A_64] : memref<20000xf32, #tpu.memory_space<vmem>> -> memref<10000xf32, #tpu.memory_space<vmem>>
    %dma_start3A_66 = arith.constant 0 : i32
    %dma_start3A_67 = tpu.memref_slice %arg7[%dma_start3A_66] : memref<20000xi32, #tpu.memory_space<vmem>> -> memref<10000xi32, #tpu.memory_space<vmem>>
    %dma_start3A_68 = arith.constant 0 : i32
    %dma_start3A_69 = tpu.memref_slice %arg31[%dma_start3A_68] : memref<10240xf32, #tpu.memory_space<vmem_shared>> -> memref<10240xf32, #tpu.memory_space<vmem_shared>>
    tpu.enqueue_indirect_dma source(%dma_start3A_65 : memref<10000xf32, #tpu.memory_space<vmem>>) target(%dma_start3A_69 : memref<10240xf32, #tpu.memory_space<vmem_shared>>) offsets(%dma_start3A_67 : memref<10000xi32, #tpu.memory_space<vmem>>) semaphore(%arg28 : memref<!tpu.dma_semaphore, #tpu.memory_space<semaphore_mem>>) {add = true}
    %dma_wait3A_70 = arith.constant 10000 : i32
    %dma_wait3A_71 = tpu.memref_slice %arg9[%dma_wait3A_70] : memref<20000xf32, #tpu.memory_space<vmem>> -> memref<10000xf32, #tpu.memory_space<vmem>>
    %dma_wait3A_72 = arith.constant 10000 : i32
    %dma_wait3A_73 = tpu.memref_slice %arg8[%dma_wait3A_72] : memref<20000xi32, #tpu.memory_space<vmem>> -> memref<10000xi32, #tpu.memory_space<vmem>>
    %dma_wait3A_74 = arith.constant 0 : i32
    %dma_wait3A_75 = tpu.memref_slice %arg30[%dma_wait3A_74] : memref<10240xf32, #tpu.memory_space<vmem_shared>> -> memref<10240xf32, #tpu.memory_space<vmem_shared>>
    tpu.wait_indirect_dma semaphore(%arg27 : memref<!tpu.dma_semaphore, #tpu.memory_space<semaphore_mem>>) src(%dma_wait3A_75 : memref<10240xf32, #tpu.memory_space<vmem_shared>>) dst(%dma_wait3A_71 : memref<10000xf32, #tpu.memory_space<vmem>>)
    %dma_start3A_76 = arith.constant 10000 : i32
    %dma_start3A_77 = tpu.memref_slice %arg9[%dma_start3A_76] : memref<20000xf32, #tpu.memory_space<vmem>> -> memref<10000xf32, #tpu.memory_space<vmem>>
    %dma_start3A_78 = arith.constant 10000 : i32
    %dma_start3A_79 = tpu.memref_slice %arg7[%dma_start3A_78] : memref<20000xi32, #tpu.memory_space<vmem>> -> memref<10000xi32, #tpu.memory_space<vmem>>
    %dma_start3A_80 = arith.constant 0 : i32
    %dma_start3A_81 = tpu.memref_slice %arg31[%dma_start3A_80] : memref<10240xf32, #tpu.memory_space<vmem_shared>> -> memref<10240xf32, #tpu.memory_space<vmem_shared>>
    tpu.enqueue_indirect_dma source(%dma_start3A_77 : memref<10000xf32, #tpu.memory_space<vmem>>) target(%dma_start3A_81 : memref<10240xf32, #tpu.memory_space<vmem_shared>>) offsets(%dma_start3A_79 : memref<10000xi32, #tpu.memory_space<vmem>>) semaphore(%arg26 : memref<!tpu.dma_semaphore, #tpu.memory_space<semaphore_mem>>) {add = true}
    %dma_wait3A_82 = arith.constant 0 : i32
    %dma_wait3A_83 = tpu.memref_slice %arg9[%dma_wait3A_82] : memref<20000xf32, #tpu.memory_space<vmem>> -> memref<10000xf32, #tpu.memory_space<vmem>>
    %dma_wait3A_84 = arith.constant 0 : i32
    %dma_wait3A_85 = tpu.memref_slice %arg7[%dma_wait3A_84] : memref<20000xi32, #tpu.memory_space<vmem>> -> memref<10000xi32, #tpu.memory_space<vmem>>
    %dma_wait3A_86 = arith.constant 0 : i32
    %dma_wait3A_87 = tpu.memref_slice %arg31[%dma_wait3A_86] : memref<10240xf32, #tpu.memory_space<vmem_shared>> -> memref<10240xf32, #tpu.memory_space<vmem_shared>>
    tpu.wait_indirect_dma semaphore(%arg28 : memref<!tpu.dma_semaphore, #tpu.memory_space<semaphore_mem>>) src(%dma_wait3A_83 : memref<10000xf32, #tpu.memory_space<vmem>>) dst(%dma_wait3A_87 : memref<10240xf32, #tpu.memory_space<vmem_shared>>)
    %dma_wait3A_88 = arith.constant 10000 : i32
    %dma_wait3A_89 = tpu.memref_slice %arg9[%dma_wait3A_88] : memref<20000xf32, #tpu.memory_space<vmem>> -> memref<10000xf32, #tpu.memory_space<vmem>>
    %dma_wait3A_90 = arith.constant 10000 : i32
    %dma_wait3A_91 = tpu.memref_slice %arg7[%dma_wait3A_90] : memref<20000xi32, #tpu.memory_space<vmem>> -> memref<10000xi32, #tpu.memory_space<vmem>>
    %dma_wait3A_92 = arith.constant 0 : i32
    %dma_wait3A_93 = tpu.memref_slice %arg31[%dma_wait3A_92] : memref<10240xf32, #tpu.memory_space<vmem_shared>> -> memref<10240xf32, #tpu.memory_space<vmem_shared>>
    tpu.wait_indirect_dma semaphore(%arg26 : memref<!tpu.dma_semaphore, #tpu.memory_space<semaphore_mem>>) src(%dma_wait3A_89 : memref<10000xf32, #tpu.memory_space<vmem>>) dst(%dma_wait3A_93 : memref<10240xf32, #tpu.memory_space<vmem_shared>>)
    %barrier3A_94 = arith.constant 0 : index
    tpu.barrier barrier_id(%barrier3A_94)
    "tpu.region"() ({
      %run_scoped3A = tpu.sem_alloc : memref<!tpu.dma_semaphore, #tpu.memory_space<semaphore_mem>>
      %dma_start3A_178 = tpu.memref_slice %arg31[%mul3A_0] : memref<10240xf32, #tpu.memory_space<vmem_shared>> -> memref<640xf32, #tpu.memory_space<vmem_shared>>
      %dma_start3A_179 = tpu.memref_slice %arg31[%mul3A_0] : memref<10240xf32, #tpu.memory_space<vmem_shared>> -> memref<640xf32, #tpu.memory_space<vmem_shared>>
      tpu.enqueue_dma source(%dma_start3A_179 : memref<640xf32, #tpu.memory_space<vmem_shared>>) target(%arg15 : memref<640xf32, #tpu.memory_space<vmem>>) target_semaphore(%run_scoped3A : memref<!tpu.dma_semaphore, #tpu.memory_space<semaphore_mem>>)
      %dma_wait3A_180 = tpu.memref_slice %arg31[%mul3A_0] : memref<10240xf32, #tpu.memory_space<vmem_shared>> -> memref<640xf32, #tpu.memory_space<vmem_shared>>
      %dma_wait3A_181 = tpu.memref_slice %arg31[%mul3A_0] : memref<10240xf32, #tpu.memory_space<vmem_shared>> -> memref<640xf32, #tpu.memory_space<vmem_shared>>
      tpu.wait_dma2 semaphore(%run_scoped3A : memref<!tpu.dma_semaphore, #tpu.memory_space<semaphore_mem>>) src(%dma_wait3A_181 : memref<640xf32, #tpu.memory_space<vmem_shared>>) dst(%arg15 : memref<640xf32, #tpu.memory_space<vmem>>)
      tpu.yield
    }) : () -> ()
    %broadcast_in_dim3A_95 = arith.constant -1.000000e+30 : f32
    %broadcast_in_dim3A_96 = vector.broadcast %broadcast_in_dim3A_95 : f32 to vector<16xf32>
    %scan3A_97 = arith.constant 0 : i32
    %scan3A_98 = arith.constant 40 : i32
    %scan3A_99 = arith.addi %scan3A_97, %scan3A_98 : i32
    %scan3A_100 = arith.constant 1 : i32
    %scan3A_101 = scf.for %scan3A_178 = %scan3A_97 to %scan3A_99 step %scan3A_100 iter_args(%scan3A_179 = %broadcast_in_dim3A_96) -> (vector<16xf32>)  : i32 {
      %mul3A_180 = arith.constant 16 : i32
      %mul3A_181 = arith.muli %scan3A_178, %mul3A_180 : i32
      %get3A_182 = arith.index_cast %mul3A_181 : i32 to index
      %get3A_183 = tpu.vector_load %arg12[%get3A_182] {strides = array<i32>} : memref<640xf32, #tpu.memory_space<vmem>>, vector<16xf32>,
      %get3A_184 = arith.index_cast %mul3A_181 : i32 to index
      %get3A_185 = tpu.vector_load %arg15[%get3A_184] {strides = array<i32>} : memref<640xf32, #tpu.memory_space<vmem>>, vector<16xf32>,
      %mul3A_186 = arith.mulf %get3A_183, %get3A_185 : vector<16xf32>
      %get3A_187 = arith.index_cast %mul3A_181 : i32 to index
      %get3A_188 = tpu.vector_load %arg13[%get3A_187] {strides = array<i32>} : memref<640xf32, #tpu.memory_space<vmem>>, vector<16xf32>,
      %add3A = arith.addf %mul3A_186, %get3A_188 : vector<16xf32>
      %swap3A_189 = arith.index_cast %mul3A_181 : i32 to index
      %swap3A_190 = tpu.vector_load %arg16[%swap3A_189] {strides = array<i32>} : memref<640xf32, #tpu.memory_space<vmem>>, vector<16xf32>,
      tpu.vector_store %arg16[%swap3A_189], %add3A {strides = array<i32>} : memref<640xf32, #tpu.memory_space<vmem>>, vector<16xf32>,
      %mul3A_191 = arith.constant 16 : i32
      %mul3A_192 = arith.muli %scan3A_178, %mul3A_191 : i32
      %add3A_193 = arith.addi %mul3A_0, %mul3A_192 : i32
      %iota3A = tpu.iota {dimensions = array<i32: 0>} : vector<16xi32>
      %add3A_194 = vector.broadcast %add3A_193 : i32 to vector<16xi32>
      %add3A_195 = arith.addi %add3A_194, %iota3A : vector<16xi32>
      %lt3A_196 = arith.constant 10000 : i32
      %lt3A_197 = vector.broadcast %lt3A_196 : i32 to vector<16xi32>
      %lt3A_198 = arith.cmpi slt, %add3A_195, %lt3A_197 : vector<16xi32>
      %jit3A = arith.constant -1.000000e+30 : f32
      %broadcast_in_dim3A_199 = vector.broadcast %jit3A : f32 to vector<16xf32>
      %select_n3A = arith.select %lt3A_198, %add3A, %broadcast_in_dim3A_199 : vector<16xi1>, vector<16xf32>
      %max3A_200 = arith.maximumf %scan3A_179, %select_n3A : vector<16xf32>
      scf.yield %max3A_200 : vector<16xf32>
    }
    %scan3A_102 = arith.constant 40 : i32
    %swap3A_103 = arith.constant 0 : index
    %swap3A_104 = tpu.vector_load %arg22[%swap3A_103] {strides = array<i32>} : memref<16xf32, #tpu.memory_space<vmem>>, vector<16xf32>,
    tpu.vector_store %arg22[%swap3A_103], %scan3A_101 {strides = array<i32>} : memref<16xf32, #tpu.memory_space<vmem>>, vector<16xf32>,
    %mul3A_105 = arith.constant 16 : i32
    %mul3A_106 = arith.muli %arg1, %mul3A_105 : i32
    "tpu.region"() ({
      %run_scoped3A = tpu.sem_alloc : memref<!tpu.dma_semaphore, #tpu.memory_space<semaphore_mem>>
      %dma_start3A_178 = tpu.memref_slice %arg32[%mul3A_106] : memref<256xf32, #tpu.memory_space<vmem_shared>> -> memref<16xf32, #tpu.memory_space<vmem_shared>>
      %dma_start3A_179 = tpu.memref_slice %arg32[%mul3A_106] : memref<256xf32, #tpu.memory_space<vmem_shared>> -> memref<16xf32, #tpu.memory_space<vmem_shared>>
      tpu.enqueue_dma source(%arg22 : memref<16xf32, #tpu.memory_space<vmem>>) target(%dma_start3A_179 : memref<16xf32, #tpu.memory_space<vmem_shared>>) target_semaphore(%run_scoped3A : memref<!tpu.dma_semaphore, #tpu.memory_space<semaphore_mem>>)
      %dma_wait3A_180 = tpu.memref_slice %arg32[%mul3A_106] : memref<256xf32, #tpu.memory_space<vmem_shared>> -> memref<16xf32, #tpu.memory_space<vmem_shared>>
      %dma_wait3A_181 = tpu.memref_slice %arg32[%mul3A_106] : memref<256xf32, #tpu.memory_space<vmem_shared>> -> memref<16xf32, #tpu.memory_space<vmem_shared>>
      tpu.wait_dma2 semaphore(%run_scoped3A : memref<!tpu.dma_semaphore, #tpu.memory_space<semaphore_mem>>) src(%arg22 : memref<16xf32, #tpu.memory_space<vmem>>) dst(%dma_wait3A_181 : memref<16xf32, #tpu.memory_space<vmem_shared>>)
      tpu.yield
    }) : () -> ()
    %barrier3A_107 = arith.constant 0 : index
    tpu.barrier barrier_id(%barrier3A_107)
    "tpu.region"() ({
      %run_scoped3A = tpu.sem_alloc : memref<!tpu.dma_semaphore, #tpu.memory_space<semaphore_mem>>
      tpu.enqueue_dma source(%arg32 : memref<256xf32, #tpu.memory_space<vmem_shared>>) target(%arg23 : memref<256xf32, #tpu.memory_space<vmem>>) target_semaphore(%run_scoped3A : memref<!tpu.dma_semaphore, #tpu.memory_space<semaphore_mem>>)
      tpu.wait_dma2 semaphore(%run_scoped3A : memref<!tpu.dma_semaphore, #tpu.memory_space<semaphore_mem>>) src(%arg32 : memref<256xf32, #tpu.memory_space<vmem_shared>>) dst(%arg23 : memref<256xf32, #tpu.memory_space<vmem>>)
      tpu.yield
    }) : () -> ()
    %broadcast_in_dim3A_108 = arith.constant -1.000000e+30 : f32
    %broadcast_in_dim3A_109 = vector.broadcast %broadcast_in_dim3A_108 : f32 to vector<16xf32>
    %get3A = arith.constant 0 : index
    %get3A_110 = tpu.vector_load %arg23[%get3A] {strides = array<i32>} : memref<256xf32, #tpu.memory_space<vmem>>, vector<16xf32>,
    %max3A = arith.maximumf %broadcast_in_dim3A_109, %get3A_110 : vector<16xf32>
    %get3A_111 = arith.constant 16 : index
    %get3A_112 = tpu.vector_load %arg23[%get3A_111] {strides = array<i32>} : memref<256xf32, #tpu.memory_space<vmem>>, vector<16xf32>,
    %max3A_113 = arith.maximumf %max3A, %get3A_112 : vector<16xf32>
    %get3A_114 = arith.constant 32 : index
    %get3A_115 = tpu.vector_load %arg23[%get3A_114] {strides = array<i32>} : memref<256xf32, #tpu.memory_space<vmem>>, vector<16xf32>,
    %max3A_116 = arith.maximumf %max3A_113, %get3A_115 : vector<16xf32>
    %get3A_117 = arith.constant 48 : index
    %get3A_118 = tpu.vector_load %arg23[%get3A_117] {strides = array<i32>} : memref<256xf32, #tpu.memory_space<vmem>>, vector<16xf32>,
    %max3A_119 = arith.maximumf %max3A_116, %get3A_118 : vector<16xf32>
    %get3A_120 = arith.constant 64 : index
    %get3A_121 = tpu.vector_load %arg23[%get3A_120] {strides = array<i32>} : memref<256xf32, #tpu.memory_space<vmem>>, vector<16xf32>,
    %max3A_122 = arith.maximumf %max3A_119, %get3A_121 : vector<16xf32>
    %get3A_123 = arith.constant 80 : index
    %get3A_124 = tpu.vector_load %arg23[%get3A_123] {strides = array<i32>} : memref<256xf32, #tpu.memory_space<vmem>>, vector<16xf32>,
    %max3A_125 = arith.maximumf %max3A_122, %get3A_124 : vector<16xf32>
    %get3A_126 = arith.constant 96 : index
    %get3A_127 = tpu.vector_load %arg23[%get3A_126] {strides = array<i32>} : memref<256xf32, #tpu.memory_space<vmem>>, vector<16xf32>,
    %max3A_128 = arith.maximumf %max3A_125, %get3A_127 : vector<16xf32>
    %get3A_129 = arith.constant 112 : index
    %get3A_130 = tpu.vector_load %arg23[%get3A_129] {strides = array<i32>} : memref<256xf32, #tpu.memory_space<vmem>>, vector<16xf32>,
    %max3A_131 = arith.maximumf %max3A_128, %get3A_130 : vector<16xf32>
    %get3A_132 = arith.constant 128 : index
    %get3A_133 = tpu.vector_load %arg23[%get3A_132] {strides = array<i32>} : memref<256xf32, #tpu.memory_space<vmem>>, vector<16xf32>,
    %max3A_134 = arith.maximumf %max3A_131, %get3A_133 : vector<16xf32>
    %get3A_135 = arith.constant 144 : index
    %get3A_136 = tpu.vector_load %arg23[%get3A_135] {strides = array<i32>} : memref<256xf32, #tpu.memory_space<vmem>>, vector<16xf32>,
    %max3A_137 = arith.maximumf %max3A_134, %get3A_136 : vector<16xf32>
    %get3A_138 = arith.constant 160 : index
    %get3A_139 = tpu.vector_load %arg23[%get3A_138] {strides = array<i32>} : memref<256xf32, #tpu.memory_space<vmem>>, vector<16xf32>,
    %max3A_140 = arith.maximumf %max3A_137, %get3A_139 : vector<16xf32>
    %get3A_141 = arith.constant 176 : index
    %get3A_142 = tpu.vector_load %arg23[%get3A_141] {strides = array<i32>} : memref<256xf32, #tpu.memory_space<vmem>>, vector<16xf32>,
    %max3A_143 = arith.maximumf %max3A_140, %get3A_142 : vector<16xf32>
    %get3A_144 = arith.constant 192 : index
    %get3A_145 = tpu.vector_load %arg23[%get3A_144] {strides = array<i32>} : memref<256xf32, #tpu.memory_space<vmem>>, vector<16xf32>,
    %max3A_146 = arith.maximumf %max3A_143, %get3A_145 : vector<16xf32>
    %get3A_147 = arith.constant 208 : index
    %get3A_148 = tpu.vector_load %arg23[%get3A_147] {strides = array<i32>} : memref<256xf32, #tpu.memory_space<vmem>>, vector<16xf32>,
    %max3A_149 = arith.maximumf %max3A_146, %get3A_148 : vector<16xf32>
    %get3A_150 = arith.constant 224 : index
    %get3A_151 = tpu.vector_load %arg23[%get3A_150] {strides = array<i32>} : memref<256xf32, #tpu.memory_space<vmem>>, vector<16xf32>,
    %max3A_152 = arith.maximumf %max3A_149, %get3A_151 : vector<16xf32>
    %get3A_153 = arith.constant 240 : index
    %get3A_154 = tpu.vector_load %arg23[%get3A_153] {strides = array<i32>} : memref<256xf32, #tpu.memory_space<vmem>>, vector<16xf32>,
    %max3A_155 = arith.maximumf %max3A_152, %get3A_154 : vector<16xf32>
    %reduce_max3A = arith.constant true
    %reduce_max3A_156 = vector.broadcast %reduce_max3A : i1 to vector<16xi1>
    %reduce_max3A_157 = tpu.scan <max>, %max3A_155 masked %reduce_max3A_156 : vector<16xf32>, vector<16xi1> -> vector<16xf32>
    %reduce_max3A_158 = vector.extract %reduce_max3A_157[15] : f32 from vector<16xf32>
    %scan3A_159 = arith.constant 0 : i32
    %scan3A_160 = arith.constant 0 : i32
    %scan3A_161 = arith.constant 40 : i32
    %scan3A_162 = arith.addi %scan3A_160, %scan3A_161 : i32
    %scan3A_163 = arith.constant 1 : i32
    scf.for %scan3A_178 = %scan3A_160 to %scan3A_162 step %scan3A_163  : i32 {
      %mul3A_179 = arith.constant 16 : i32
      %mul3A_180 = arith.muli %scan3A_178, %mul3A_179 : i32
      %mul3A_181 = arith.constant 16 : i32
      %mul3A_182 = arith.muli %scan3A_178, %mul3A_181 : i32
      %add3A = arith.addi %mul3A_0, %mul3A_182 : i32
      %iota3A = tpu.iota {dimensions = array<i32: 0>} : vector<16xi32>
      %add3A_183 = vector.broadcast %add3A : i32 to vector<16xi32>
      %add3A_184 = arith.addi %add3A_183, %iota3A : vector<16xi32>
      %get3A_185 = arith.index_cast %mul3A_180 : i32 to index
      %get3A_186 = tpu.vector_load %arg16[%get3A_185] {strides = array<i32>} : memref<640xf32, #tpu.memory_space<vmem>>, vector<16xf32>,
      %sub3A = vector.broadcast %reduce_max3A_158 : f32 to vector<16xf32>
      %sub3A_187 = arith.subf %get3A_186, %sub3A : vector<16xf32>
      %exp3A = math.exp %sub3A_187 : vector<16xf32>
      %lt3A_188 = arith.constant 10000 : i32
      %lt3A_189 = vector.broadcast %lt3A_188 : i32 to vector<16xi32>
      %lt3A_190 = arith.cmpi slt, %add3A_184, %lt3A_189 : vector<16xi32>
      %jit3A = arith.constant 0.000000e+00 : f32
      %broadcast_in_dim3A_191 = vector.broadcast %jit3A : f32 to vector<16xf32>
      %select_n3A = arith.select %lt3A_190, %exp3A, %broadcast_in_dim3A_191 : vector<16xi1>, vector<16xf32>
      %swap3A_192 = arith.index_cast %mul3A_180 : i32 to index
      %swap3A_193 = tpu.vector_load %arg19[%swap3A_192] {strides = array<i32>} : memref<640xf32, #tpu.memory_space<vmem>>, vector<16xf32>,
      tpu.vector_store %arg19[%swap3A_192], %select_n3A {strides = array<i32>} : memref<640xf32, #tpu.memory_space<vmem>>, vector<16xf32>,
      %jit3A_194 = arith.constant 8 : i32
      %eq3A_195 = arith.constant 0 : i32
      %eq3A_196 = arith.cmpi eq, %jit3A_194, %eq3A_195 : i32
      %jit3A_197 = arith.constant 1 : i32
      %select_n3A_198 = arith.select %eq3A_196, %jit3A_197, %jit3A_194 : i32
      %rem3A = arith.remsi %scan3A_178, %select_n3A_198 : i32
      %ne3A = arith.constant 0 : i32
      %ne3A_199 = arith.cmpi ne, %rem3A, %ne3A : i32
      %lt3A_200 = arith.constant 0 : i32
      %lt3A_201 = arith.cmpi slt, %rem3A, %lt3A_200 : i32
      %lt3A_202 = arith.constant 0 : i32
      %lt3A_203 = arith.cmpi slt, %select_n3A_198, %lt3A_202 : i32
      %ne3A_204 = arith.xori %lt3A_201, %lt3A_203 : i1
      %and3A = arith.andi %ne3A_204, %ne3A_199 : i1
      %add3A_205 = arith.addi %rem3A, %select_n3A_198 : i32
      %select_n3A_206 = arith.select %and3A, %add3A_205, %rem3A : i32
      %mul3A_207 = arith.constant 16 : i32
      %mul3A_208 = arith.muli %select_n3A_206, %mul3A_207 : i32
      %iota3A_209 = tpu.iota {dimensions = array<i32: 0>} : vector<16xi32>
      %add3A_210 = vector.broadcast %mul3A_208 : i32 to vector<16xi32>
      %add3A_211 = arith.addi %add3A_210, %iota3A_209 : vector<16xi32>
      %mul3A_212 = arith.constant 64 : i32
      %mul3A_213 = vector.broadcast %mul3A_212 : i32 to vector<16xi32>
      %mul3A_214 = arith.muli %add3A_211, %mul3A_213 : vector<16xi32>
      %get3A_215 = arith.index_cast %mul3A_180 : i32 to index
      %get3A_216 = tpu.vector_load %arg17[%get3A_215] {strides = array<i32>} : memref<640xi32, #tpu.memory_space<vmem>>, vector<16xi32>,
      %add3A_217 = arith.addi %mul3A_214, %get3A_216 : vector<16xi32>
      %swap3A_218 = arith.index_cast %mul3A_180 : i32 to index
      %swap3A_219 = tpu.vector_load %arg18[%swap3A_218] {strides = array<i32>} : memref<640xi32, #tpu.memory_space<vmem>>, vector<16xi32>,
      tpu.vector_store %arg18[%swap3A_218], %add3A_217 {strides = array<i32>} : memref<640xi32, #tpu.memory_space<vmem>>, vector<16xi32>,
    }
    %scan3A_164 = arith.constant 40 : i32
    "tpu.region"() ({
      %run_scoped3A = tpu.sem_alloc : memref<!tpu.dma_semaphore, #tpu.memory_space<semaphore_mem>>
      %dma_start3A_178 = arith.constant 0 : i32
      %dma_start3A_179 = tpu.memref_slice %arg33[%dma_start3A_178] : memref<8192xf32, #tpu.memory_space<vmem_shared>> -> memref<8192xf32, #tpu.memory_space<vmem_shared>>
      tpu.enqueue_indirect_dma source(%arg19 : memref<640xf32, #tpu.memory_space<vmem>>) target(%dma_start3A_179 : memref<8192xf32, #tpu.memory_space<vmem_shared>>) offsets(%arg18 : memref<640xi32, #tpu.memory_space<vmem>>) semaphore(%run_scoped3A : memref<!tpu.dma_semaphore, #tpu.memory_space<semaphore_mem>>) {add = true}
      %dma_wait3A_180 = arith.constant 0 : i32
      %dma_wait3A_181 = tpu.memref_slice %arg33[%dma_wait3A_180] : memref<8192xf32, #tpu.memory_space<vmem_shared>> -> memref<8192xf32, #tpu.memory_space<vmem_shared>>
      tpu.wait_indirect_dma semaphore(%run_scoped3A : memref<!tpu.dma_semaphore, #tpu.memory_space<semaphore_mem>>) src(%arg19 : memref<640xf32, #tpu.memory_space<vmem>>) dst(%dma_wait3A_181 : memref<8192xf32, #tpu.memory_space<vmem_shared>>)
      tpu.yield
    }) : () -> ()
    %barrier3A_165 = arith.constant 0 : index
    tpu.barrier barrier_id(%barrier3A_165)
    %eq3A_166 = arith.constant 0 : i32
    %eq3A_167 = arith.cmpi eq, %arg1, %eq3A_166 : i32
    %convert_element_type3A_168 = arith.extui %eq3A_167 : i1 to i32
    %cond3A_169 = arith.constant 0 : i32
    %cond3A_170 = arith.cmpi ne, %convert_element_type3A_168, %cond3A_169 : i32
    scf.if %cond3A_170 {
      "tpu.region"() ({
        %run_scoped3A = tpu.sem_alloc : memref<!tpu.dma_semaphore, #tpu.memory_space<semaphore_mem>>
        tpu.enqueue_dma source(%arg33 : memref<8192xf32, #tpu.memory_space<vmem_shared>>) target(%arg24 : memref<8192xf32, #tpu.memory_space<vmem>>) target_semaphore(%run_scoped3A : memref<!tpu.dma_semaphore, #tpu.memory_space<semaphore_mem>>)
        tpu.wait_dma2 semaphore(%run_scoped3A : memref<!tpu.dma_semaphore, #tpu.memory_space<semaphore_mem>>) src(%arg33 : memref<8192xf32, #tpu.memory_space<vmem_shared>>) dst(%arg24 : memref<8192xf32, #tpu.memory_space<vmem>>)
        tpu.yield
      }) : () -> ()
      %broadcast_in_dim3A_178 = arith.constant 0.000000e+00 : f32
      %broadcast_in_dim3A_179 = vector.broadcast %broadcast_in_dim3A_178 : f32 to vector<16xf32>
      %broadcast_in_dim3A_180 = arith.constant 0.000000e+00 : f32
      %broadcast_in_dim3A_181 = vector.broadcast %broadcast_in_dim3A_180 : f32 to vector<16xf32>
      %broadcast_in_dim3A_182 = arith.constant 0.000000e+00 : f32
      %broadcast_in_dim3A_183 = vector.broadcast %broadcast_in_dim3A_182 : f32 to vector<16xf32>
      %broadcast_in_dim3A_184 = arith.constant 0.000000e+00 : f32
      %broadcast_in_dim3A_185 = vector.broadcast %broadcast_in_dim3A_184 : f32 to vector<16xf32>
      %scan3A_186 = arith.constant 0 : i32
      %scan3A_187 = arith.constant 128 : i32
      %scan3A_188 = arith.addi %scan3A_186, %scan3A_187 : i32
      %scan3A_189 = arith.constant 1 : i32
      %scan3A_190:4 = scf.for %scan3A_200 = %scan3A_186 to %scan3A_188 step %scan3A_189 iter_args(%scan3A_201 = %broadcast_in_dim3A_179, %scan3A_202 = %broadcast_in_dim3A_181, %scan3A_203 = %broadcast_in_dim3A_183, %scan3A_204 = %broadcast_in_dim3A_185) -> (vector<16xf32>, vector<16xf32>, vector<16xf32>, vector<16xf32>)  : i32 {
        %mul3A_205 = arith.constant 64 : i32
        %mul3A_206 = arith.muli %scan3A_200, %mul3A_205 : i32
        %add3A = arith.constant 0 : i32
        %add3A_207 = arith.addi %mul3A_206, %add3A : i32
        %get3A_208 = arith.index_cast %add3A_207 : i32 to index
        %get3A_209 = tpu.vector_load %arg24[%get3A_208] {strides = array<i32>} : memref<8192xf32, #tpu.memory_space<vmem>>, vector<16xf32>,
        %add3A_210 = arith.addf %scan3A_201, %get3A_209 : vector<16xf32>
        %mul3A_211 = arith.constant 64 : i32
        %mul3A_212 = arith.muli %scan3A_200, %mul3A_211 : i32
        %add3A_213 = arith.constant 16 : i32
        %add3A_214 = arith.addi %mul3A_212, %add3A_213 : i32
        %get3A_215 = arith.index_cast %add3A_214 : i32 to index
        %get3A_216 = tpu.vector_load %arg24[%get3A_215] {strides = array<i32>} : memref<8192xf32, #tpu.memory_space<vmem>>, vector<16xf32>,
        %add3A_217 = arith.addf %scan3A_202, %get3A_216 : vector<16xf32>
        %mul3A_218 = arith.constant 64 : i32
        %mul3A_219 = arith.muli %scan3A_200, %mul3A_218 : i32
        %add3A_220 = arith.constant 32 : i32
        %add3A_221 = arith.addi %mul3A_219, %add3A_220 : i32
        %get3A_222 = arith.index_cast %add3A_221 : i32 to index
        %get3A_223 = tpu.vector_load %arg24[%get3A_222] {strides = array<i32>} : memref<8192xf32, #tpu.memory_space<vmem>>, vector<16xf32>,
        %add3A_224 = arith.addf %scan3A_203, %get3A_223 : vector<16xf32>
        %mul3A_225 = arith.constant 64 : i32
        %mul3A_226 = arith.muli %scan3A_200, %mul3A_225 : i32
        %add3A_227 = arith.constant 48 : i32
        %add3A_228 = arith.addi %mul3A_226, %add3A_227 : i32
        %get3A_229 = arith.index_cast %add3A_228 : i32 to index
        %get3A_230 = tpu.vector_load %arg24[%get3A_229] {strides = array<i32>} : memref<8192xf32, #tpu.memory_space<vmem>>, vector<16xf32>,
        %add3A_231 = arith.addf %scan3A_204, %get3A_230 : vector<16xf32>
        scf.yield %add3A_210, %add3A_217, %add3A_224, %add3A_231 : vector<16xf32>, vector<16xf32>, vector<16xf32>, vector<16xf32>
      }
      %scan3A_191 = arith.constant 128 : i32
      %swap3A_192 = arith.constant 0 : index
      %swap3A_193 = tpu.vector_load %arg25[%swap3A_192] {strides = array<i32>} : memref<64xf32, #tpu.memory_space<vmem>>, vector<16xf32>,
      tpu.vector_store %arg25[%swap3A_192], %scan3A_190#0 {strides = array<i32>} : memref<64xf32, #tpu.memory_space<vmem>>, vector<16xf32>,
      %swap3A_194 = arith.constant 16 : index
      %swap3A_195 = tpu.vector_load %arg25[%swap3A_194] {strides = array<i32>} : memref<64xf32, #tpu.memory_space<vmem>>, vector<16xf32>,
      tpu.vector_store %arg25[%swap3A_194], %scan3A_190#1 {strides = array<i32>} : memref<64xf32, #tpu.memory_space<vmem>>, vector<16xf32>,
      %swap3A_196 = arith.constant 32 : index
      %swap3A_197 = tpu.vector_load %arg25[%swap3A_196] {strides = array<i32>} : memref<64xf32, #tpu.memory_space<vmem>>, vector<16xf32>,
      tpu.vector_store %arg25[%swap3A_196], %scan3A_190#2 {strides = array<i32>} : memref<64xf32, #tpu.memory_space<vmem>>, vector<16xf32>,
      %swap3A_198 = arith.constant 48 : index
      %swap3A_199 = tpu.vector_load %arg25[%swap3A_198] {strides = array<i32>} : memref<64xf32, #tpu.memory_space<vmem>>, vector<16xf32>,
      tpu.vector_store %arg25[%swap3A_198], %scan3A_190#3 {strides = array<i32>} : memref<64xf32, #tpu.memory_space<vmem>>, vector<16xf32>,
      "tpu.region"() ({
        %run_scoped3A = tpu.sem_alloc : memref<!tpu.dma_semaphore, #tpu.memory_space<semaphore_mem>>
        tpu.enqueue_dma source(%arg25 : memref<64xf32, #tpu.memory_space<vmem>>) target(%arg34 : memref<64xf32, #tpu.memory_space<vmem_shared>>) target_semaphore(%run_scoped3A : memref<!tpu.dma_semaphore, #tpu.memory_space<semaphore_mem>>)
        tpu.wait_dma2 semaphore(%run_scoped3A : memref<!tpu.dma_semaphore, #tpu.memory_space<semaphore_mem>>) src(%arg25 : memref<64xf32, #tpu.memory_space<vmem>>) dst(%arg34 : memref<64xf32, #tpu.memory_space<vmem_shared>>)
        tpu.yield
      }) : () -> ()
    } else {
    }
    %barrier3A_171 = arith.constant 0 : index
    tpu.barrier barrier_id(%barrier3A_171)
    "tpu.region"() ({
      %run_scoped3A = tpu.sem_alloc : memref<!tpu.dma_semaphore, #tpu.memory_space<semaphore_mem>>
      tpu.enqueue_dma source(%arg34 : memref<64xf32, #tpu.memory_space<vmem_shared>>) target(%arg25 : memref<64xf32, #tpu.memory_space<vmem>>) target_semaphore(%run_scoped3A : memref<!tpu.dma_semaphore, #tpu.memory_space<semaphore_mem>>)
      tpu.wait_dma2 semaphore(%run_scoped3A : memref<!tpu.dma_semaphore, #tpu.memory_space<semaphore_mem>>) src(%arg34 : memref<64xf32, #tpu.memory_space<vmem_shared>>) dst(%arg25 : memref<64xf32, #tpu.memory_space<vmem>>)
      tpu.yield
    }) : () -> ()
    %scan3A_172 = arith.constant 0 : i32
    %scan3A_173 = arith.constant 0 : i32
    %scan3A_174 = arith.constant 40 : i32
    %scan3A_175 = arith.addi %scan3A_173, %scan3A_174 : i32
    %scan3A_176 = arith.constant 1 : i32
    scf.for %scan3A_178 = %scan3A_173 to %scan3A_175 step %scan3A_176  : i32 {
      %mul3A_179 = arith.constant 16 : i32
      %mul3A_180 = arith.muli %scan3A_178, %mul3A_179 : i32
      %get3A_181 = arith.index_cast %mul3A_180 : i32 to index
      %get3A_182 = tpu.vector_load %arg17[%get3A_181] {strides = array<i32>} : memref<640xi32, #tpu.memory_space<vmem>>, vector<16xi32>,
      %gather3A = tpu.vector_load_idx %arg25[%get3A_182] : memref<64xf32, #tpu.memory_space<vmem>>[vector<16xi32>], vector<16xf32>,
      %get3A_183 = arith.index_cast %mul3A_180 : i32 to index
      %get3A_184 = tpu.vector_load %arg19[%get3A_183] {strides = array<i32>} : memref<640xf32, #tpu.memory_space<vmem>>, vector<16xf32>,
      %add3A = arith.constant 1.000000e-16 : f32
      %add3A_185 = vector.broadcast %add3A : f32 to vector<16xf32>
      %add3A_186 = arith.addf %gather3A, %add3A_185 : vector<16xf32>
      %div3A = arith.divf %get3A_184, %add3A_186 : vector<16xf32>
      %swap3A_187 = arith.index_cast %mul3A_180 : i32 to index
      %swap3A_188 = tpu.vector_load %arg20[%swap3A_187] {strides = array<i32>} : memref<640xf32, #tpu.memory_space<vmem>>, vector<16xf32>,
      tpu.vector_store %arg20[%swap3A_187], %div3A {strides = array<i32>} : memref<640xf32, #tpu.memory_space<vmem>>, vector<16xf32>,
    }
    %scan3A_177 = arith.constant 40 : i32
    "tpu.region"() ({
      %run_scoped3A = tpu.sem_alloc : memref<!tpu.dma_semaphore, #tpu.memory_space<semaphore_mem>>
      %dma_start3A_178 = tpu.memref_slice %arg6[%mul3A_0] : memref<10240xf32, #tpu.memory_space<hbm>> -> memref<640xf32, #tpu.memory_space<hbm>>
      %dma_start3A_179 = tpu.memref_slice %arg6[%mul3A_0] : memref<10240xf32, #tpu.memory_space<hbm>> -> memref<640xf32, #tpu.memory_space<hbm>>
      tpu.enqueue_dma source(%arg20 : memref<640xf32, #tpu.memory_space<vmem>>) target(%dma_start3A_179 : memref<640xf32, #tpu.memory_space<hbm>>) target_semaphore(%run_scoped3A : memref<!tpu.dma_semaphore, #tpu.memory_space<semaphore_mem>>)
      %dma_wait3A_180 = tpu.memref_slice %arg6[%mul3A_0] : memref<10240xf32, #tpu.memory_space<hbm>> -> memref<640xf32, #tpu.memory_space<hbm>>
      %dma_wait3A_181 = tpu.memref_slice %arg6[%mul3A_0] : memref<10240xf32, #tpu.memory_space<hbm>> -> memref<640xf32, #tpu.memory_space<hbm>>
      tpu.wait_dma2 semaphore(%run_scoped3A : memref<!tpu.dma_semaphore, #tpu.memory_space<semaphore_mem>>) src(%arg20 : memref<640xf32, #tpu.memory_space<vmem>>) dst(%dma_wait3A_181 : memref<640xf32, #tpu.memory_space<hbm>>)
      tpu.yield
    }) : () -> ()
    return
  }
}

module attributes {stable_mosaic.version = 14 : i64} {
  func.func @_matvec_body(%arg0: i32, %arg1: memref<640x128xf32, #tpu.memory_space<vmem>>, %arg2: memref<128x1xf32, #tpu.memory_space<vmem>>, %arg3: memref<640x1xf32, #tpu.memory_space<vmem>>) attributes {dimension_semantics = [#tpu.dimension_semantics<arbitrary>], iteration_bounds = array<i64: 16>, scalar_prefetch = 0 : i64, scratch_operands = 0 : i64, tpu.core_type = #tpu.core_type<tc>, window_params = [{transform_indices = @transform_0, window_bounds = array<i64: 640, 128>}, {pipeline_mode = #tpu.pipeline_mode<synchronous>, transform_indices = @transform_1, window_bounds = array<i64: 128, 1>}, {transform_indices = @transform_2, window_bounds = array<i64: 640, 1>}]} {
    %get3A = arith.constant 0 : index
    %get3A_0 = arith.constant 0 : index
    %get3A_1 = vector.load %arg1[%get3A, %get3A_0] : memref<640x128xf32, #tpu.memory_space<vmem>>, vector<640x128xf32>
    %get3A_2 = arith.constant 0 : index
    %get3A_3 = arith.constant 0 : index
    %get3A_4 = vector.load %arg2[%get3A_2, %get3A_3] : memref<128x1xf32, #tpu.memory_space<vmem>>, vector<128x1xf32>
    %dot_general3A = arith.constant dense<0.000000e+00> : vector<640x1xf32>
    %dot_general3A_5 = tpu.matmul %get3A_1, %get3A_4, %dot_general3A {dimension_numbers = #tpu.dot_dimension_numbers<[1], [0], [0], [1], [0, 0, 1, 1], [], []>, transpose_lhs_hint = false} : vector<640x128xf32>, vector<128x1xf32>, vector<640x1xf32> -> vector<640x1xf32>
    %mul3A = arith.constant 640 : i32
    %mul3A_6 = arith.muli %arg0, %mul3A : i32
    %iota3A = tpu.iota {dimensions = array<i32: 0>} : vector<640x1xi32>
    %add3A = vector.broadcast %mul3A_6 : i32 to vector<640x1xi32>
    %add3A_7 = arith.addi %add3A, %iota3A : vector<640x1xi32>
    %lt3A = arith.constant 10000 : i32
    %lt3A_8 = vector.broadcast %lt3A : i32 to vector<640x1xi32>
    %lt3A_9 = arith.cmpi slt, %add3A_7, %lt3A_8 : vector<640x1xi32>
    %jit3A = arith.constant 0.000000e+00 : f32
    %broadcast_in_dim3A = vector.broadcast %jit3A : f32 to vector<640x1xf32>
    %select_n3A = arith.select %lt3A_9, %dot_general3A_5, %broadcast_in_dim3A : vector<640x1xi1>, vector<640x1xf32>
    %swap3A = arith.constant 0 : index
    %swap3A_10 = arith.constant 0 : index
    %swap3A_11 = vector.load %arg3[%swap3A, %swap3A_10] : memref<640x1xf32, #tpu.memory_space<vmem>>, vector<640x1xf32>
    tpu.vector_store %arg3[%swap3A, %swap3A_10], %select_n3A {strides = array<i32>} : memref<640x1xf32, #tpu.memory_space<vmem>>, vector<640x1xf32>,
    return
  }
  func.func @transform_0(%arg0: i32) -> (i32, i32) {
    %c0_i32 = arith.constant 0 : i32
    %c0_i32_0 = arith.constant 0 : i32
    return %arg0, %c0_i32 : i32, i32
  }
  func.func @transform_1(%arg0: i32) -> (i32, i32) {
    %c0_i32 = arith.constant 0 : i32
    %c0_i32_0 = arith.constant 0 : i32
    %c0_i32_1 = arith.constant 0 : i32
    return %c0_i32, %c0_i32_0 : i32, i32
  }
  func.func @transform_2(%arg0: i32) -> (i32, i32) {
    %c0_i32 = arith.constant 0 : i32
    %c0_i32_0 = arith.constant 0 : i32
    return %arg0, %c0_i32 : i32, i32
  }
}

</mosaic_0001>

<sc_bundles>
// kernel: kernel.4.cloned.1.call-start
scs
__scs_entry_jumppad:
0x0: {  	(pc) =	sbr.rel $0x88, $3  }
0x1: {  	(tag) =	ssettag $0x0;
	lr =	simm.s32 $0x1  }
0x2: {  	[smem:$0x3F9D] =	sst lr;
	_ =	strace $0xD0000000  }
0x3: {  	_ = 	snop  }
0x4: {  	_ = 	snop  }
0x5: {  	_ = 	snop  }
0x6: {  	_ = 	snop  }
0x7: {  	_ = 	snop  }
__scs_overlays_trampoline_lowered:
0x8: {  	[smem:$0x3FAC] =	sst s0  }
0x9: {  	[smem:$0x3FAD] =	sst s1  }
0xa: {  	[smem:$0x3FAE] =	sst s2  }
0xb: {  	[smem:$0x3FAF] =	sst s3  }
0xc: {  	[smem:$0x3FB0] =	sst s4  }
0xd: {  	[smem:$0x3FB1] =	sst s5  }
0xe: {  	[smem:$0x3FB2] =	sst s6  }
0xf: {  	[smem:$0x3FB3] =	sst s7  }
0x10: {  	[smem:$0x3FB4] =	sst s8  }
0x11: {  	[smem:$0x3FB5] =	sst s9;
	s0 =	simm.s32 @!p0 $0x0  }
0x12: {  	s1 =	sld [smem:$0x3F9B];
	s0 =	simm.s32 @p0 $0x1  }
0x13: {  	[smem:$0x3FB6] =	sst s0;
	s0 =	simm.s32 @!p1 $0x0  }
0x14: {  	s2 =	sld [smem:$0x3F9A];
	s0 =	simm.s32 @p1 $0x1  }
0x15: {  	[smem:$0x3FB7] =	sst s0;
	s0 =	simm.s32 @!p2 $0x0  }
0x16: {  	s3 =	sld [smem:$0x3FDB];
	s0 =	simm.s32 @p2 $0x1  }
0x17: {  	s4 =	simm.s32 $0x1BF5;
	[smem:$0x3FB9] =	sst s0  }
0x18: {  	s0 =	sld [smem:$0x3F9C];
	_ =	swait.ge [sflag:s4], $0x0  }
0x19: {  	s7 =	sld [smem:$0x3F9D]  }
0x1a: {  	s8 =	sadd.s32 $0xFFFFE003, lr  }
0x1b: {  	s9 =	sadd.s32 $0xFFFFFEF7, lr;
	s5 =	simm.s32 $0xFFFFFFFF;
	p2 =	slt.u32 s8, $0xFFFFF086  }
0x1c: {  	p1 =	slt.u32 s9, $0xF7A;
	s5 =	simm.s32 @!p2 $0x0  }
0x1d: {  	s5 =	simm.s32 @p1 $0x1;
	p0 =	seq.s32 s7, s2  }
0x1e: {  	s7 =	smul.u32 @!p0 $0xF7A, s2;
	p2 =	seq.s32 @!p0 s5, $0x0  }
0x1f: {  	s9 =	smul.u32 $0xF7A, s1;
	s8 =	simm.s32 @!p0 $0x1BF5;
	p2 =	por !p2, p0  }
0x20: {  	[sflag:s8] =	ssyncset.s32 @!p0 $0xFFFFF086;
	s6 =	sadd.s32 @!p0 s3, s7;
	s7 =	simm.s32 @!p0 $0x108  }
0x21: {  	s3 =	sadd.s32 s3, s9;
	s6 =	sadd.s32 @!p0 $0x88, s6;
	s7 =	simm.s32 @p2 $0x1082  }
0x22: {  	[simem:s7], [sflag:s8] =	dma.local @!p0 [hbm:s6], $0xF7A  }
0x23: {  	s9 =	sor.u32 $0xD0000000, s2;
	s6 =	simm.s32 $0x108;
	_ =	swait.ge @!p0 [sflag:s8], $0x0  }
0x24: {  	s3 =	sadd.s32 $0x88, s3;
	s6 =	simm.s32 @!p1 $0x1082;
	[sflag:s4] =	ssyncset.s32 $0xFFFFF086  }
0x25: {  	[simem:s6], [sflag:s4] =	dma.local [hbm:s3], $0xF7A  }
0x26: {  	[smem:$0x3F9D] =	sst s1;
	(tag) =	ssettag s2;
	_ =	strace s9  }
0x27: {  	s1 =	sld [smem:$0x3FAD]  }
0x28: {  	s2 =	sld [smem:$0x3FAE]  }
0x29: {  	s4 =	sld [smem:$0x3FB0]  }
0x2a: {  	p0 =	seq.s32 s5, $0x0;
	s5 =	sld [smem:$0x3FB1]  }
0x2b: {  	s6 =	sld [smem:$0x3FB2]  }
0x2c: {  	s7 =	sld [smem:$0x3FB3]  }
0x2d: {  	s3 =	simm.s32 $0x108;
	s8 =	sld [smem:$0x3FB4]  }
0x2e: {  	s3 =	simm.s32 @!p0 $0x1082;
	s9 =	sld [smem:$0x3FB5]  }
0x2f: {  	lr =	sadd.s32 s0, s3;
	s0 =	sld [smem:$0x3FAC]  }
0x30: {  	s3 =	sld [smem:$0x3FAF]  }
0x31: {  	[smem:$0x3FB8] =	sst s10  }
0x32: {  	s10 =	sld [smem:$0x3FB6];
	_ =	sdelay $0x3  }
0x33: {  	p0 =	seq.s32 s10, $0x1;
	s10 =	sld [smem:$0x3FB8];
	_ =	sdelay $0x3  }
0x34: {  	[smem:$0x3FB8] =	sst s10  }
0x35: {  	s10 =	sld [smem:$0x3FB7];
	_ =	sdelay $0x3  }
0x36: {  	p1 =	seq.s32 s10, $0x1;
	s10 =	sld [smem:$0x3FB8];
	_ =	sdelay $0x3  }
0x37: {  	[smem:$0x3FB8] =	sst s10  }
0x38: {  	s10 =	sld [smem:$0x3FB9]  }
0x39: {  	_ = 	snop;
	(pc) =	sbr.ind lr, $3  }
0x3a: {  	_ = 	snop  }
0x3b: {  	_ = 	snop  }
0x3c: {  	p2 =	seq.s32 s10, $0x1;
	s10 =	sld [smem:$0x3FB8]  }
0x3d: {  	_ =	shalt  }
0x3e: {  	_ =	shalt  }
0x3f: {  	_ =	shalt  }
0x40: {  	_ =	shalt  }
0x41: {  	_ =	shalt  }
0x42: {  	_ =	shalt  }
0x43: {  	_ =	shalt  }
0x44: {  	_ =	shalt  }
0x45: {  	_ =	shalt  }
0x46: {  	_ =	shalt  }
0x47: {  	_ =	shalt  }
0x48: {  	_ =	shalt  }
0x49: {  	_ =	shalt  }
0x4a: {  	_ =	shalt  }
0x4b: {  	_ =	shalt  }
0x4c: {  	_ =	shalt  }
0x4d: {  	_ =	shalt  }
0x4e: {  	_ =	shalt  }
0x4f: {  	_ =	shalt  }
0x50: {  	_ =	shalt  }
0x51: {  	_ =	shalt  }
0x52: {  	_ =	shalt  }
0x53: {  	_ =	shalt  }
0x54: {  	_ =	shalt  }
0x55: {  	_ =	shalt  }
0x56: {  	_ =	shalt  }
0x57: {  	_ =	shalt  }
0x58: {  	_ =	shalt  }
0x59: {  	_ =	shalt  }
0x5a: {  	_ =	shalt  }
0x5b: {  	_ =	shalt  }
0x5c: {  	_ =	shalt  }
0x5d: {  	_ =	shalt  }
0x5e: {  	_ =	shalt  }
0x5f: {  	_ =	shalt  }
0x60: {  	_ =	shalt  }
0x61: {  	_ =	shalt  }
0x62: {  	_ =	shalt  }
0x63: {  	_ =	shalt  }
0x64: {  	_ =	shalt  }
0x65: {  	_ =	shalt  }
0x66: {  	_ =	shalt  }
0x67: {  	_ =	shalt  }
0x68: {  	_ =	shalt  }
0x69: {  	_ =	shalt  }
0x6a: {  	_ =	shalt  }
0x6b: {  	_ =	shalt  }
0x6c: {  	_ =	shalt  }
0x6d: {  	_ =	shalt  }
0x6e: {  	_ =	shalt  }
0x6f: {  	_ =	shalt  }
0x70: {  	_ =	shalt  }
0x71: {  	_ =	shalt  }
0x72: {  	_ =	shalt  }
0x73: {  	_ =	shalt  }
0x74: {  	_ =	shalt  }
0x75: {  	_ =	shalt  }
0x76: {  	_ =	shalt  }
0x77: {  	_ =	shalt  }
0x78: {  	_ =	shalt  }
0x79: {  	_ =	shalt  }
0x7a: {  	_ =	shalt  }
0x7b: {  	_ =	shalt  }
0x7c: {  	_ =	shalt  }
0x7d: {  	_ =	shalt  }
0x7e: {  	_ =	shalt  }
0x7f: {  	_ =	shalt  }
0x80: {  	_ =	shalt  }
0x81: {  	_ =	shalt  }
0x82: {  	_ =	shalt  }
0x83: {  	_ =	shalt  }
0x84: {  	_ =	shalt  }
0x85: {  	_ =	shalt  }
0x86: {  	_ =	shalt  }
0x87: {  	_ =	shalt  }
.Lfunc_end0:
.L_simem_size_0:
called_computation_lowered:
.L_overlay_start_0:
0x88: {  	s0 =	sld [smem:$0x3FD9]  }
0x89: {  	s1 =	sld [smem:$0x3FFE];
	_ =	sdelay $0x3  }
0x8a: {  	s0 =	sadd.s32 s1, s0  }
0x8b: {  	[smem:$0x3FC4] =	sst s0  }
0x8c: {  	_ = 	snop  }
0x8d: {  	s0 =	sld [smem:$0x3FD0];
	_ =	sdelay $0x2  }
0x8e: {  	s2 =	simm.s32 $0xA;
	s3 =	simm.s32 $0x10;
	s14 =	sld [smem:$0x3FC7]  }
0x8f: {  	[smem:s3], [sflag:s2] =	dma.local [hbm:s0], $0x1  }
0x90: {  	_ =	swait.eq [sflag:s2], $0x1  }
0x91: {  	s15 =	sld [smem:$0x10]  }
0x92: {  	s16 =	sld [smem:$0x11];
	[sflag:s2] =	ssyncset.done $0x0  }
0x93: {  	s4 =	sld [smem:$0x12];
	[sflag:s2] =	ssyncadd.s32 $0xFFFFFFFF  }
0x94: {  	s17 =	sld [smem:$0x13];
	(tm) =	ssettm $0x1  }
0x95: {  	s5 =	sld [smem:$0x3FFB];
	_ =	sdelay $0x3  }
0x96: {  	_ =	strace s5  }
0x97: {  	s5 =	sld [smem:$0x3FFC];
	_ =	sdelay $0x3  }
0x98: {  	_ =	strace s5  }
0x99: {  	s5 =	sld [smem:$0x3FFD];
	_ =	sdelay $0x3  }
0x9a: {  	_ =	strace s5  }
0x9b: {  	_ =	strace $0x8FFFFFFF  }
0x9c: {  	s18 =	sld [smem:$0x3FDB];
	_ =	sdelay $0x1  }
0x9d: {  	s6 =	simm.s32 $_scs_section_size  }
0x9e: {  	s7 =	simm.s32 $_size__tile_overlayer_lowered;
	s8 =	simm.s32 $_tile_overlayer_lowered  }
0x9f: {  	s21 =	simm.s32 $0x1BFF;
	s20 =	sshll.u32 s8, $0x1;
	s5 =	sadd.s32 s6, s18  }
0xa0: {  	s9 =	simm.s32 $0x0;
	s19 =	sshll.u32 s7, $0x1;
	s7 =	sadd.s32 s20, s5  }
0xa1: {  	[timem:s9], [sflag:s21] =	dma.local [hbm:s7], s19  }
0xa2: {  	_ =	swait.ge [sflag:s21], s19  }
0xa3: {  	s6 =	ssub.s32 $0x0, s19;
	[sflag:s21] =	ssyncset.done $0x0  }
0xa4: {  	[sflag:s21] =	ssyncadd.s32 s6;
	_ =	sdelay $0x1  }
0xa5: {  	s22 =	simm.s32 $0x1B8B  }
0xa6: {  	_ =	swait.ge [sflag:s22], $0x1  }
0xa7: {  	[sflag:s22] =	ssyncset.done $0x0  }
0xa8: {  	s23 =	simm.s32 $0x1B8E;
	[sflag:s22] =	ssyncadd.s32 $0xFFFFFFFF  }
0xa9: {  	s24 =	simm.s32 $execute0_lowered;
	[smem:$0x3FD2] =	sst s23  }
0xaa: {  	s6 =	sshll.u32 s24, $0x1;
	_ =	strace $0x80000046;
	[dreg:$0x1] =	wrdreg $0xFFFFFFFF  }
0xab: {  	s25 =	simm.s32 $_size_execute0_lowered;
	s5 =	sadd.s32 s5, s6;
	[dreg:$0x0] =	wrdreg $0x0  }
0xac: {  	s6 =	sshll.u32 s25, $0x1;
	[dreg:$0x2] =	wrdreg s5  }
0xad: {  	[dreg:$0x3] =	wrdreg s6  }
0xae: {  	[dreg:$0x4] =	wrdreg $0xC0  }
0xaf: {  	_ =	task [dreg:s9], $0x5FFFF  }
0xb0: {  	[dreg:$0x1] =	wrdreg $0xFFFFFFFF  }
0xb1: {  	[dreg:$0x0] =	wrdreg $0x60  }
0xb2: {  	[dreg:$0x2] =	wrdreg s17  }
0xb3: {  	[dreg:$0x3] =	wrdreg s15  }
0xb4: {  	[dreg:$0x4] =	wrdreg s16  }
0xb5: {  	[dreg:$0x5] =	wrdreg s14  }
0xb6: {  	[dreg:$0x6] =	wrdreg s4  }
0xb7: {  	[dreg:$0x7] =	wrdreg $0x12B800  }
0xb8: {  	[dreg:$0x8] =	wrdreg $0x130800  }
0xb9: {  	[dreg:$0x9] =	wrdreg $0x133100  }
0xba: {  	[dreg:$0xa] =	wrdreg $0x12E000  }
0xbb: {  	[dreg:$0xb] =	wrdreg $0x133000  }
0xbc: {  	[dreg:$0xc] =	wrdreg $0x135100  }
0xbd: {  	[dreg:$0xd] =	wrdreg $0x9  }
0xbe: {  	_ =	task.clear_ibuf [dreg:s9], $0xEFFFF;
	_ =	strace $0x90000046  }
0xbf: {  	s26 =	simm.s32 $0x9;
	_ =	strace $0x80000048  }
0xc0: {  	_ =	swait.ge [sflag:s26], $0x1  }
0xc1: {  	[sflag:s26] =	ssyncadd.s32 $0xFFFFFFFF  }
0xc2: {  	_ =	strace $0x90000048  }
0xc3: {  	_ =	sfence  }
0xc4: {  	s28 =	sld [smem:$0x0];
	_ =	sdelay $0x1  }
0xc5: {  	s29 =	srdreg.scid  }
0xc6: {  	s30 =	sshll.u32 s29, $0xD;
	s31 =	sshrl.u32 s29, $0x2  }
0xc7: {  	s1 =	sand.u32 $0x1, s29;
	s2 =	sand.u32 $0x4000, s30;
	s0 =	sadd.s32 s31, s28  }
0xc8: {  	s1 =	sor.u32 s2, s1;
	s0 =	sshll.u32 s0, $0x11  }
0xc9: {  	s0 =	sor.u32 s0, s1  }
0xca: {  	s0 =	sadd.s32 $0x8F2B, s0  }
0xcb: {  	[sflag:s0] =	ssyncadd.remote.s32 $0x1  }
0xcc: {  	_ =	sfence.sel $0xFFFF  }
0xcd: {  	[dreg:$0x0] =	wrdreg $0xFFFFFFFF;
	(pc) =	sbr.abs _section_cstart, $3  }
0xce: {  	[dreg:$0x1] =	wrdreg $0xFFFFFFFF  }
0xcf: {  	_ =	task.clear_ibuf [dreg:s9], $0x2FFFF;
	_ =	strace $0x9FFFFFFF  }
0xd0: {  	(tm) =	ssettm $0x7FFFFFFF  }
0xd1: {  	_ =	shalt  }
tec
execute0_lowered:
.L_overlay_start_1:
0x0: {  	(tag) =	ssettag $0x1  }
0x1: {  	s10 =	rddreg [dreg:$0x0]  }
0x2: {  	s11 =	rddreg [dreg:$0x1]  }
0x3: {  	s13 =	rddreg [dreg:$0x2]  }
0x4: {  	s9 =	rddreg [dreg:$0x3]  }
0x5: {  	s3 =	rddreg [dreg:$0x4]  }
0x6: {  	s12 =	rddreg [dreg:$0x5]  }
0x7: {  	s7 =	rddreg [dreg:$0x6]  }
0x8: {  	s2 =	rddreg [dreg:$0x7]  }
0x9: {  	s8 =	rddreg [dreg:$0x8]  }
0xa: {  	s6 =	rddreg [dreg:$0x9]  }
0xb: {  	s1 =	rddreg [dreg:$0xa];
	s4 =	stileid.u32  }
0xc: {  	s0 =	rddreg [dreg:$0xb];
	s15 =	simm.s32 $0x0;
	s14 =	smul.u32 $0x9C4, s4  }
0xd: {  	[smem:$0x7FF] =	sst s15  }
0xe: {  	s5 =	smul.u32 $0x280, s4;
	_ =	strace $0x80000047;
	s13 =	sadd.s32 s13, s14  }
0xf: {  	[tilespmem:s15], [sflag:$0x1] =	stream.linear.gather [hbm4b:s13+s15], $0x4E20, $0x38;
	[tilespmem:$0x13518] =	vst v63  }
0x10: {  	s26 =	simm.s32 $0x4E80;
	s11 =	sadd.s32 s11, s14;
	s14 =	sshrl.u32 s5, $0x3  }
0x11: {  	[tilespmem:s26], [sflag:$0x2] =	stream.linear.gather [hbm4b:s11+s15], $0x4E20, $0x38;
	[tilespmem:$0x13518] =	vst v63  }
0x12: {  	s28 =	simm.s32 $0xEB80;
	s10 =	sadd.s32 s10, s14  }
0x13: {  	v0 =	vimm.f32 $0.0e+00;
	[tilespmem:s28], [sflag:$0x3] =	stream.linear.gather [hbm4b:s10+s15], $0x280, $0x38;
	[tilespmem:$0x13518] =	vst v63  }
0x14: {  	[tilespmem:$0x10700] =	vst v0  }
0x15: {  	[tilespmem:$0x10710] =	vst v0  }
0x16: {  	[tilespmem:$0x10720] =	vst v0  }
0x17: {  	[tilespmem:$0x10730] =	vst v0  }
0x18: {  	[tilespmem:$0x10740] =	vst v0  }
0x19: {  	[tilespmem:$0x10750] =	vst v0  }
0x1a: {  	[tilespmem:$0x10760] =	vst v0  }
0x1b: {  	[tilespmem:$0x10770] =	vst v0  }
0x1c: {  	[tilespmem:$0x10780] =	vst v0  }
0x1d: {  	[tilespmem:$0x10790] =	vst v0  }
0x1e: {  	[tilespmem:$0x107A0] =	vst v0  }
0x1f: {  	[tilespmem:$0x107B0] =	vst v0  }
0x20: {  	[tilespmem:$0x107C0] =	vst v0  }
0x21: {  	[tilespmem:$0x107D0] =	vst v0  }
0x22: {  	[tilespmem:$0x107E0] =	vst v0  }
0x23: {  	[tilespmem:$0x107F0] =	vst v0  }
0x24: {  	[tilespmem:$0x10800] =	vst v0  }
0x25: {  	[tilespmem:$0x10810] =	vst v0  }
0x26: {  	[tilespmem:$0x10820] =	vst v0  }
0x27: {  	[tilespmem:$0x10830] =	vst v0  }
0x28: {  	[tilespmem:$0x10840] =	vst v0  }
0x29: {  	[tilespmem:$0x10850] =	vst v0  }
0x2a: {  	[tilespmem:$0x10860] =	vst v0  }
0x2b: {  	[tilespmem:$0x10870] =	vst v0  }
0x2c: {  	[tilespmem:$0x10880] =	vst v0  }
0x2d: {  	[tilespmem:$0x10890] =	vst v0  }
0x2e: {  	[tilespmem:$0x108A0] =	vst v0  }
0x2f: {  	[tilespmem:$0x108B0] =	vst v0  }
0x30: {  	[tilespmem:$0x108C0] =	vst v0  }
0x31: {  	[tilespmem:$0x108D0] =	vst v0  }
0x32: {  	[tilespmem:$0x108E0] =	vst v0  }
0x33: {  	[tilespmem:$0x108F0] =	vst v0  }
0x34: {  	[tilespmem:$0x10900] =	vst v0  }
0x35: {  	[tilespmem:$0x10910] =	vst v0  }
0x36: {  	[tilespmem:$0x10920] =	vst v0  }
0x37: {  	[tilespmem:$0x10930] =	vst v0  }
0x38: {  	[tilespmem:$0x10940] =	vst v0  }
0x39: {  	[tilespmem:$0x10950] =	vst v0  }
0x3a: {  	[tilespmem:$0x10960] =	vst v0  }
0x3b: {  	s29 =	simm.s32 $0x10700;
	s30 =	simm.s32 $0x4;
	s13 =	sadd.s32 s5, s12;
	[tilespmem:$0x10970] =	vst v0  }
0x3c: {  	[spmem:s13] =	stream.linear.scatter [tilespmem:s29], [sflag:$0x4], $0x280, $0x38;
	[tilespmem:$0x13518] =	vst v63  }
0x3d: {  	_ =	swait.ge [sflag:s30], $0x280  }
0x3e: {  	[sflag:s30] =	ssyncset.done $0x0  }
0x3f: {  	s10 =	sadd.s32 s5, s7;
	[sflag:s30] =	ssyncadd.s32 $0xFFFFFD80  }
0x40: {  	[spmem:s10] =	stream.linear.scatter [tilespmem:s29], [sflag:$0x4], $0x280, $0x38;
	[tilespmem:$0x13518] =	vst v63  }
0x41: {  	_ =	swait.ge [sflag:s30], $0x280  }
0x42: {  	s16 =	sshll.u32 s4, $0x9;
	[sflag:s30] =	ssyncset.done $0x0  }
0x43: {  	s16 =	sadd.s32 s16, s2;
	[sflag:s30] =	ssyncadd.s32 $0xFFFFFD80  }
0x44: {  	[spmem:s16] =	stream.linear.scatter [tilespmem:s29], [sflag:$0x4], $0x200, $0x38;
	[tilespmem:$0x13518] =	vst v63  }
0x45: {  	_ =	swait.ge [sflag:s30], $0x200  }
0x46: {  	p0 =	seq.s32 s4, $0xF;
	[sflag:s30] =	ssyncset.done $0x0  }
0x47: {  	v0 =	vimm.s32 @p0 $0x3F;
	[sflag:s30] =	ssyncadd.s32 $0xFFFFFE00  }
0x48: {  	[tilespmem:$0xFE90] =	vst @p0 v0  }
0x49: {  	[tilespmem:$0xFEA0] =	vst @p0 v0  }
0x4a: {  	[tilespmem:$0xFEB0] =	vst @p0 v0  }
0x4b: {  	[tilespmem:$0xFEC0] =	vst @p0 v0  }
0x4c: {  	[tilespmem:$0xFED0] =	vst @p0 v0  }
0x4d: {  	[tilespmem:$0xFEE0] =	vst @p0 v0  }
0x4e: {  	[tilespmem:$0xFEF0] =	vst @p0 v0  }
0x4f: {  	[tilespmem:$0xFF00] =	vst @p0 v0  }
0x50: {  	[tilespmem:$0xFF10] =	vst @p0 v0  }
0x51: {  	[tilespmem:$0xFF20] =	vst @p0 v0  }
0x52: {  	[tilespmem:$0xFF30] =	vst @p0 v0  }
0x53: {  	[tilespmem:$0xFF40] =	vst @p0 v0  }
0x54: {  	[tilespmem:$0xFF50] =	vst @p0 v0  }
0x55: {  	[tilespmem:$0xFF60] =	vst @p0 v0  }
0x56: {  	s11 =	sadd.s32 @p0 $0x4B0, s9;
	s15 =	simm.s32 @p0 $0x0;
	s16 =	simm.s32 @p0 $0xFD00;
	[tilespmem:$0xFF70] =	vst @p0 v0  }
0x57: {  	[tilespmem:s16], [sflag:$0x4] =	stream.linear.gather @p0 [hbm4b:s11+s15], $0x190, $0x38;
	[tilespmem:$0x13518] =	vst v63  }
0x58: {  	s11 =	simm.s32 @p0 $0x4  }
0x59: {  	_ =	swait.ge @p0 [sflag:s11], $0x190  }
0x5a: {  	s9 =	sadd.s32 @!p0 s9, s14;
	[sflag:s11] =	ssyncset.done @p0 $0x0  }
0x5b: {  	s15 =	simm.s32 @!p0 $0xFD00;
	[sflag:s11] =	ssyncadd.s32 @p0 $0xFFFFFE70;
	s11 =	simm.s32 @!p0 $0x0  }
0x5c: {  	[tilespmem:s15], [sflag:$0x4] =	stream.linear.gather @!p0 [hbm4b:s9+s11], $0x280, $0x38;
	[tilespmem:$0x13518] =	vst v63  }
0x5d: {  	s15 =	simm.s32 @!p0 $0x4  }
0x5e: {  	s31 =	sshll.u32 s4, $0x4;
	s3 =	sadd.s32 s3, s14;
	_ =	swait.ge @!p0 [sflag:s15], $0x280  }
0x5f: {  	s14 =	simm.s32 $0x0;
	s11 =	sadd.s32 s5, s8;
	[sflag:s15] =	ssyncset.done @!p0 $0x0  }
0x60: {  	v0 =	vimm.f32 $1.000000000e+00;
	s9 =	sadd.s32 s31, s6;
	[sflag:s15] =	ssyncadd.s32 @!p0 $0xFFFFFD80;
	s15 =	simm.s32 $0x200  }
.LBB2_1:
0x61: {  	p0 =	sne.s32 s15, $0x13600;
	[tilespmem:s14+$0x9D70] =	vst v0  }
0x62: {  	[tilespmem:s14+$0x9D00] =	vst v0  }
0x63: {  	[tilespmem:s14+$0x9D10] =	vst v0  }
.Ltmp0:
0x64: {  	[tilespmem:s14+$0x9D20] =	vst v0;
	(pc) =	sbr.rel @p0 .LBB2_1-.Ltmp0, $4  }
0x65: {  	[tilespmem:s14+$0x9D30] =	vst v0  }
0x66: {  	[tilespmem:s14+$0x9D40] =	vst v0  }
0x67: {  	[tilespmem:s14+$0x9D50] =	vst v0  }
0x68: {  	[tilespmem:s14+$0x9D60] =	vst v0;
	s14 =	sshra.s32 s15, $0x2;
	s15 =	sadd.s32 $0x200, s15  }
0x69: {  	[tilespmem:s14+$0x9D70] =	vst v0  }
0x6a: {  	[tilespmem:s14+$0x9D00] =	vst v0  }
0x6b: {  	[tilespmem:s14+$0x9D10] =	vst v0  }
0x6c: {  	[tilespmem:s14+$0x9D20] =	vst v0  }
0x6d: {  	[tilespmem:s14+$0x9D30] =	vst v0  }
0x6e: {  	[tilespmem:s14+$0x9D40] =	vst v0  }
0x6f: {  	[tilespmem:s14+$0x9D50] =	vst v0  }
0x70: {  	[tilespmem:s14+$0x9D60] =	vst v0;
	v0 =	vimm.f32 $1.000000000e+00  }
0x71: {  	[tilespmem:$0xEB00] =	vst v0  }
0x72: {  	s26 =	simm.s32 $0x1;
	[tilespmem:$0xEB10] =	vst v0  }
0x73: {  	_ =	swait.ge [sflag:s26], $0x4E20  }
0x74: {  	[sflag:s26] =	ssyncset.done $0x0  }
0x75: {  	s28 =	simm.s32 $0x4E20;
	s15 =	simm.s32 $0x0;
	[sflag:s26] =	ssyncadd.s32 $0xFFFFB1E0  }
0x76: {  	s16 =	simm.s32 $0x9D00;
	s29 =	simm.s32 $0x4;
	[bflag:$0x0] =	sbarrier.arrive $0xFFFF  }
0x77: {  	[spmem:s12] =	stream.indirect.scatter.add.f32 [tilespmem:s16], [sflag:$0x4], $0x1, s15, s28, $0xb8;
	[tilespmem:$0x13518] =	vst v63  }
0x78: {  	_ =	swait.ge [sflag:s29], $0x4E20  }
0x79: {  	[sflag:s29] =	ssyncset.done $0x0  }
0x7a: {  	[sflag:s29] =	ssyncadd.s32 $0xFFFFB1E0  }
0x7b: {  	s30 =	simm.s32 $0xEE00;
	[bflag:$0x0] =	sbarrier.arrive $0xFFFF  }
0x7c: {  	[tilespmem:s30], [sflag:$0x4] =	stream.linear.gather [spmem:s13], $0x280, $0x38;
	[tilespmem:$0x13518] =	vst v63  }
0x7d: {  	_ =	swait.ge [sflag:s29], $0x280  }
0x7e: {  	[sflag:s29] =	ssyncset.done $0x0  }
0x7f: {  	s31 =	simm.s32 $0x3;
	[sflag:s29] =	ssyncadd.s32 $0xFFFFFD80  }
0x80: {  	_ =	swait.ge [sflag:s31], $0x280  }
0x81: {  	[sflag:s31] =	ssyncset.done $0x0  }
0x82: {  	s17 =	simm.s32 $0x0;
	[sflag:s31] =	ssyncadd.s32 $0xFFFFFD80  }
0x83: {  	v0 =	vld [tilespmem:s17+$0xEE00];
	_ =	sdelay $0x4  }
0x84: {  	s15 =	simm.s32 $0x10;
	v0 =	vadd.f32 $1.000000000e+00, v0  }
0x85: {  	v1 =	vld [tilespmem:s15+$0xEE00]  }
0x86: {  	(erf) = vrcp.f32 v0;
	_ =	sdelay $0x3  }
0x87: {  	s12 =	simm.s32 $0x20;
	v3 =	vld [tilespmem:s17+$0xEB80];
	v1 =	vadd.f32 $1.000000000e+00, v1  }
0x88: {  	v2 =	vshrl.u32 v0, $0x1;
	v8 =	vmul.f32 $5.000000000e-01, v0;
	v0 =	vld [tilespmem:s12+$0xEE00]  }
0x89: {  	v2 =	vsub.s32 $0x5F3759DF, v2;
	(erf) = vrcp.f32 v1  }
0x8a: {  	v4 =	vmul.f32 v2, v8  }
0x8b: {  	s14 =	simm.s32 $0x30  }
0x8c: {  	v5 =	vshrl.u32 v1, $0x1;
	v7 =	vmul.f32 $5.000000000e-01, v1;
	v1 =	vmul.f32 v2, v4;
	v4 =	vld [tilespmem:s14+$0xEE00];
	v6 =	vpop (erf)  }
0x8d: {  	v10 =	vadd.f32 $1.000000000e+00, v0;
	v6 =	vmul.f32 v6, v3  }
0x8e: {  	v5 =	vsub.s32 $0x5F3759DF, v5;
	v0 =	vld [tilespmem:s15+$0xEB80];
	v1 =	vsub.f32 $1.500000000e+00, v1  }
0x8f: {  	v9 =	vmul.f32 v5, v7;
	v11 =	vshrl.u32 v10, $0x1;
	[tilespmem:s17+$0xF300] =	vst v6;
	v6 =	vmul.f32 $5.000000000e-01, v10  }
0x90: {  	s13 =	simm.s32 $0x40;
	v11 =	vsub.s32 $0x5F3759DF, v11;
	v2 =	vmul.f32 v2, v1;
	(erf) = vrcp.f32 v10  }
0x91: {  	v9 =	vmul.f32 v5, v9;
	v12 =	vadd.f32 $1.000000000e+00, v4;
	v10 =	vld [tilespmem:s13+$0xEE00];
	v4 =	vmul.f32 v11, v6  }
0x92: {  	v13 =	vpop (erf);
	v15 =	vmul.f32 v2, v8  }
0x93: {  	v9 =	vsub.f32 $1.500000000e+00, v9;
	v13 =	vmul.f32 v13, v0;
	v16 =	vmul.f32 v11, v4  }
0x94: {  	v14 =	vshrl.u32 v12, $0x1;
	v1 =	vmul.f32 $5.000000000e-01, v12;
	(erf) = vrcp.f32 v12  }
0x95: {  	s16 =	simm.s32 $0x50;
	v17 =	vsub.s32 $0x5F3759DF, v14;
	v12 =	vmul.f32 v15, v2;
	v4 =	vld [tilespmem:s12+$0xEB80];
	[tilespmem:s15+$0xF300] =	vst v13;
	v14 =	vsub.f32 $1.500000000e+00, v16  }
0x96: {  	v18 =	vmul.f32 v5, v9;
	v9 =	vmul.f32 v17, v1;
	v19 =	vadd.f32 $1.000000000e+00, v10;
	v10 =	vld [tilespmem:s16+$0xEE00]  }
0x97: {  	v12 =	vsub.f32 $1.500000000e+00, v12  }
0x98: {  	v9 =	vmul.f32 v17, v9;
	v13 =	vshrl.u32 v19, $0x1;
	v5 =	vmul.f32 $5.000000000e-01, v19  }
0x99: {  	v22 =	vmul.f32 v12, v2;
	v11 =	vmul.f32 v11, v14;
	v13 =	vsub.s32 $0x5F3759DF, v13;
	v14 =	vpop (erf)  }
0x9a: {  	v15 =	vmul.f32 v13, v5;
	v20 =	vmul.f32 v14, v4  }
0x9b: {  	v12 =	vmul.f32 v18, v7;
	v2 =	vld [tilespmem:s14+$0xEB80];
	v8 =	vmul.f32 v22, v8;
	v16 =	vadd.f32 $1.000000000e+00, v10  }
0x9c: {  	s18 =	simm.s32 $0x60;
	(erf) = vrcp.f32 v19;
	v10 =	vsub.f32 $1.500000000e+00, v9;
	v21 =	vmul.f32 v13, v15;
	[tilespmem:s12+$0xF300] =	vst v20  }
0x9d: {  	v15 =	vshrl.u32 v16, $0x1;
	v9 =	vmul.f32 $5.000000000e-01, v16;
	v20 =	vmul.f32 v12, v18;
	v23 =	vld [tilespmem:s18+$0xEE00]  }
0x9e: {  	v8 =	vmul.f32 v8, v22;
	v12 =	vsub.s32 $0x5F3759DF, v15  }
0x9f: {  	v10 =	vmul.f32 v17, v10;
	v17 =	vpop (erf);
	v19 =	vmul.f32 v12, v9;
	v24 =	vsub.f32 $1.500000000e+00, v20  }
0xa0: {  	v25 =	vsub.f32 $1.500000000e+00, v8;
	v14 =	vmul.f32 v11, v6;
	v17 =	vmul.f32 v17, v2  }
0xa1: {  	v21 =	vsub.f32 $1.500000000e+00, v21;
	v20 =	vmul.f32 v12, v19;
	v19 =	vmul.f32 v24, v18  }
0xa2: {  	s19 =	simm.s32 $0x1C0;
	v8 =	vld [tilespmem:s13+$0xEB80];
	v15 =	vmul.f32 v10, v1;
	[tilespmem:s14+$0xF300] =	vst v17;
	v17 =	vmul.f32 v25, v22;
	v18 =	vadd.f32 $1.000000000e+00, v23  }
.LBB2_3:
0xa3: {  	p0 =	sne.s32 s19, $0x9C0;
	(erf) = vrcp.f32 v16;
	v22 =	vmul.f32 v19, v7;
	v7 =	vmov v6  }
0xa4: {  	v6 =	vmovc v1;
	v1 =	vmovc v5;
	v5 =	vmov v9;
	v23 =	vmov v20;
	v24 =	vmov v19;
	s20 =	smov.u32 s18;
	s18 =	sshra.s32 s19, $0x2;
	s19 =	sadd.s32 $0x40, s19  }
0xa5: {  	v20 =	vmul.f32 v14, v11;
	v14 =	vmovc v15;
	v25 =	vld [tilespmem:s18+$0xEE00];
	v26 =	vshrl.u32 v18, $0x1;
	v9 =	vmul.f32 $5.000000000e-01, v18;
	[tilespmem:s17+$0xF080] =	vst v17;
	v16 =	vmovc v18  }
.Ltmp1:
0xa6: {  	v18 =	vmul.f32 v13, v21;
	v15 =	vsub.s32 $0x5F3759DF, v26;
	v19 =	vpop (erf);
	v21 =	vmul.f32 v22, v24;
	(pc) =	sbr.rel @p0 .LBB2_3-.Ltmp1, $4  }
0xa7: {  	v17 =	vmul.f32 v17, v3;
	v13 =	vmovc v12;
	v26 =	vsub.f32 $1.500000000e+00, v20;
	v22 =	vmul.f32 v15, v9;
	v12 =	vmovc v15  }
0xa8: {  	v3 =	vmovc v0;
	v0 =	vmovc v4;
	v15 =	vmul.f32 v18, v1;
	v27 =	vmul.f32 v19, v8;
	v28 =	vsub.f32 $1.500000000e+00, v21  }
0xa9: {  	v19 =	vmul.f32 v26, v11;
	v11 =	vmovc v10;
	v10 =	vmov v18;
	v20 =	vmul.f32 v12, v22;
	[tilespmem:s17+$0xF580] =	vst v17;
	s17 =	smov.u32 s15;
	s15 =	smov.u32 s12;
	s12 =	smov.u32 s14  }
0xaa: {  	v4 =	vmovc v2;
	v21 =	vsub.f32 $1.500000000e+00, v23;
	v2 =	vmovc v8;
	s14 =	smov.u32 s13;
	v18 =	vadd.f32 $1.000000000e+00, v25;
	[tilespmem:s13+$0xF300] =	vst v27;
	v17 =	vmul.f32 v28, v24;
	v8 =	vld [tilespmem:s16+$0xEB80];
	s13 =	smov.u32 s16;
	s16 =	smov.u32 s20  }
0xab: {  	v7 =	vmul.f32 v19, v7  }
0xac: {  	v14 =	vmul.f32 v14, v11;
	(erf) = vrcp.f32 v16  }
0xad: {  	v20 =	vsub.f32 $1.500000000e+00, v20;
	v15 =	vmul.f32 v15, v10;
	v22 =	vmul.f32 $5.000000000e-01, v18  }
0xae: {  	v50 =	vshrl.u32 v18, $0x1;
	v13 =	vmul.f32 v13, v21;
	v3 =	vmul.f32 v17, v3  }
0xaf: {  	v23 =	vpop (erf);
	(erf) = vrcp.f32 v18;
	v16 =	vsub.s32 $0x5F3759DF, v50;
	v14 =	vsub.f32 $1.500000000e+00, v14  }
0xb0: {  	v7 =	vmul.f32 v7, v19;
	v51 =	vmul.f32 v16, v22  }
0xb1: {  	v12 =	vmul.f32 v12, v20;
	v52 =	vmul.f32 v14, v11  }
0xb2: {  	v53 =	vmul.f32 v13, v5;
	v7 =	vsub.f32 $1.500000000e+00, v7;
	v21 =	vmul.f32 v16, v51  }
0xb3: {  	v56 =	vmul.f32 v12, v9;
	v6 =	vmul.f32 v52, v6  }
0xb4: {  	v23 =	vmul.f32 v23, v8;
	v7 =	vmul.f32 v7, v19;
	v54 =	vsub.f32 $1.500000000e+00, v21  }
0xb5: {  	[tilespmem:s17+$0xF580] =	vst v3;
	v58 =	vmul.f32 v56, v12;
	v3 =	vmul.f32 v6, v52;
	v6 =	vsub.f32 $1.500000000e+00, v15  }
0xb6: {  	[tilespmem:s17+$0xF080] =	vst v17;
	v14 =	vmul.f32 v53, v13;
	v16 =	vmul.f32 v16, v54  }
0xb7: {  	v55 =	vld [tilespmem:s16+$0xEB80];
	[tilespmem:s13+$0xF300] =	vst v23;
	v0 =	vmul.f32 v7, v0;
	v60 =	vsub.f32 $1.500000000e+00, v58;
	v6 =	vmul.f32 v6, v10  }
0xb8: {  	v57 =	vsub.f32 $1.500000000e+00, v14;
	[tilespmem:s15+$0xF080] =	vst v7;
	v7 =	vmul.f32 v16, v22  }
0xb9: {  	v3 =	vsub.f32 $1.500000000e+00, v3;
	[tilespmem:s15+$0xF580] =	vst v0;
	v11 =	vmul.f32 v60, v12;
	v0 =	vmul.f32 v6, v1  }
0xba: {  	v59 =	vld [tilespmem:s18+$0xEB80];
	v1 =	vmul.f32 v57, v13;
	v7 =	vmul.f32 v7, v16  }
0xbb: {  	v61 =	vpop (erf);
	v3 =	vmul.f32 v3, v52;
	v0 =	vmul.f32 v0, v6  }
0xbc: {  	v13 =	vmul.f32 v61, v55;
	v5 =	vmul.f32 v1, v5;
	v7 =	vsub.f32 $1.500000000e+00, v7  }
0xbd: {  	v63 =	vmul.f32 v11, v9;
	v4 =	vmul.f32 v3, v4;
	v0 =	vsub.f32 $1.500000000e+00, v0  }
0xbe: {  	v62 =	vpop (erf);
	v5 =	vmul.f32 v5, v1;
	v7 =	vmul.f32 v7, v16  }
0xbf: {  	[tilespmem:s16+$0xF300] =	vst v13;
	v12 =	vmul.f32 v62, v59;
	v0 =	vmul.f32 v0, v6  }
0xc0: {  	[tilespmem:s12+$0xF080] =	vst v3;
	v3 =	vsub.f32 $1.500000000e+00, v5;
	v5 =	vmul.f32 v63, v11;
	v6 =	vmul.f32 v7, v22  }
0xc1: {  	[tilespmem:s12+$0xF580] =	vst v4;
	v2 =	vmul.f32 v0, v2  }
0xc2: {  	[tilespmem:s18+$0xF300] =	vst v12;
	v1 =	vmul.f32 v3, v1;
	v3 =	vsub.f32 $1.500000000e+00, v5;
	v4 =	vmul.f32 v6, v7  }
0xc3: {  	[tilespmem:s14+$0xF080] =	vst v0  }
0xc4: {  	[tilespmem:s14+$0xF580] =	vst v2;
	v0 =	vmul.f32 v1, v8;
	v2 =	vmul.f32 v3, v11;
	v3 =	vsub.f32 $1.500000000e+00, v4  }
0xc5: {  	[tilespmem:s13+$0xF080] =	vst v1  }
0xc6: {  	[tilespmem:s13+$0xF580] =	vst v0;
	v0 =	vmul.f32 v2, v55;
	v1 =	vmul.f32 v3, v7  }
0xc7: {  	[tilespmem:s16+$0xF080] =	vst v2  }
0xc8: {  	[tilespmem:s16+$0xF580] =	vst v0;
	v0 =	vmul.f32 v1, v59  }
0xc9: {  	[tilespmem:s18+$0xF080] =	vst v1  }
0xca: {  	s19 =	simm.s32 $0x4;
	[tilespmem:s18+$0xF580] =	vst v0;
	s18 =	simm.s32 $0xF580  }
0xcb: {  	[spmem:s11] =	stream.linear.scatter [tilespmem:s18], [sflag:$0x4], $0x280, $0x38;
	[tilespmem:$0x13518] =	vst v63  }
0xcc: {  	_ =	swait.ge [sflag:s19], $0x280  }
0xcd: {  	[sflag:s19] =	ssyncset.done $0x0  }
0xce: {  	[sflag:s19] =	ssyncadd.s32 $0xFFFFFD80  }
0xcf: {  	s20 =	simm.s32 $0x2;
	[bflag:$0x0] =	sbarrier.arrive $0xFFFF  }
0xd0: {  	_ =	swait.ge [sflag:s20], $0x4E20  }
0xd1: {  	s21 =	simm.s32 $0x2710;
	[sflag:s20] =	ssyncset.done $0x0  }
0xd2: {  	s22 =	simm.s32 $0x4E80;
	s23 =	simm.s32 $0x9D00;
	[sflag:s20] =	ssyncadd.s32 $0xFFFFB1E0  }
0xd3: {  	[tilespmem:s23], [sflag:$0x1] =	stream.indirect.gather [spmem:s8], $0x1, s22, s21, $0xb8;
	[tilespmem:$0x13518] =	vst v63  }
0xd4: {  	s24 =	simm.s32 $0x7590;
	s25 =	simm.s32 $0xC410;
	s26 =	simm.s32 $0x1  }
0xd5: {  	[tilespmem:s25], [sflag:$0x2] =	stream.indirect.gather [spmem:s8], $0x1, s24, s21, $0xb8;
	[tilespmem:$0x13518] =	vst v63  }
0xd6: {  	_ =	swait.ge [sflag:s26], $0x2710  }
0xd7: {  	[sflag:s26] =	ssyncset.done $0x0  }
0xd8: {  	s28 =	simm.s32 $0x0;
	[sflag:s26] =	ssyncadd.s32 $0xFFFFD8F0  }
0xd9: {  	[spmem:s7] =	stream.indirect.scatter.add.f32 [tilespmem:s23], [sflag:$0x3], $0x1, s28, s21, $0xb8;
	[tilespmem:$0x13518] =	vst v63  }
0xda: {  	_ =	swait.ge [sflag:s20], $0x2710  }
0xdb: {  	[sflag:s20] =	ssyncset.done $0x0  }
0xdc: {  	s29 =	simm.s32 $0x3;
	[sflag:s20] =	ssyncadd.s32 $0xFFFFD8F0  }
0xdd: {  	[spmem:s7] =	stream.indirect.scatter.add.f32 [tilespmem:s25], [sflag:$0x1], $0x1, s21, s21, $0xb8;
	[tilespmem:$0x13518] =	vst v63  }
0xde: {  	_ =	swait.ge [sflag:s29], $0x2710  }
0xdf: {  	[sflag:s29] =	ssyncset.done $0x0  }
0xe0: {  	[sflag:s29] =	ssyncadd.s32 $0xFFFFD8F0  }
0xe1: {  	_ =	swait.ge [sflag:s26], $0x2710  }
0xe2: {  	[sflag:s26] =	ssyncset.done $0x0  }
0xe3: {  	[sflag:s26] =	ssyncadd.s32 $0xFFFFD8F0  }
0xe4: {  	s30 =	simm.s32 $0xF800;
	[bflag:$0x0] =	sbarrier.arrive $0xFFFF  }
0xe5: {  	[tilespmem:s30], [sflag:$0x4] =	stream.linear.gather [spmem:s10], $0x280, $0x38;
	[tilespmem:$0x13518] =	vst v63  }
0xe6: {  	_ =	swait.ge [sflag:s19], $0x280  }
0xe7: {  	[sflag:s19] =	ssyncset.done $0x0  }
0xe8: {  	s31 =	simm.s32 $0x0;
	[sflag:s19] =	ssyncadd.s32 $0xFFFFFD80  }
0xe9: {  	v0 =	vld [tilespmem:s31+$0xF080]  }
0xea: {  	v1 =	vld [tilespmem:s31+$0xF800];
	_ =	sdelay $0x1  }
0xeb: {  	v3 =	vld [tilespmem:s31+$0xF300];
	_ =	sdelay $0x1  }
0xec: {  	s7 =	simm.s32 $0x10  }
0xed: {  	v2 =	vld [tilespmem:s7+$0xF800];
	v0 =	vmul.f32 v1, v0  }
0xee: {  	v1 =	vld [tilespmem:s7+$0xF080]  }
0xef: {  	v4 =	vadd.f32 v3, v0  }
0xf0: {  	p0 =	slt.u32 s5, $0x2710;
	v3 =	vld [tilespmem:s7+$0xF300]  }
0xf1: {  	s8 =	smov.u32 s5;
	s10 =	simm.s32 $0x80;
	v0 =	vimm.f32 $-1.000000020e+30;
	[tilespmem:s31+$0xFA80] =	vst v4;
	v4 =	vpsel !p0, $0xF149F2CA, v4  }
.LBB2_5:
0xf2: {  	s11 =	sshra.s32 s10, $0x2;
	v0 =	vmax.f32 v0, v4;
	p0 =	sne.s32 s10, $0x9C0  }
.Ltmp2:
0xf3: {  	s10 =	sadd.s32 $0x40, s10;
	v4 =	vmul.f32 v2, v1;
	v1 =	vld [tilespmem:s11+$0xF080];
	(pc) =	sbr.rel @p0 .LBB2_5-.Ltmp2, $4  }
0xf4: {  	v2 =	vld [tilespmem:s11+$0xF800]  }
0xf5: {  	s8 =	sadd.s32 $0x10, s8;
	v4 =	vadd.f32 v3, v4  }
0xf6: {  	p1 =	slt.u32 s8, $0x2710;
	v3 =	vld [tilespmem:s11+$0xF300]  }
0xf7: {  	[tilespmem:s7+$0xFA80] =	vst v4;
	v4 =	vpsel !p1, $0xF149F2CA, v4;
	s7 =	smov.u32 s11  }
0xf8: {  	_ = 	snop  }
0xf9: {  	v1 =	vmul.f32 v2, v1;
	_ =	sdelay $0x1  }
0xfa: {  	s8 =	sadd.s32 $0x10, s8;
	v1 =	vadd.f32 v3, v1  }
0xfb: {  	p0 =	slt.u32 s8, $0x2710  }
0xfc: {  	v0 =	vmax.f32 v0, v4;
	v2 =	vpsel !p0, $0xF149F2CA, v1  }
0xfd: {  	[tilespmem:s7+$0xFA80] =	vst v1;
	v0 =	vmax.f32 v0, v2  }
0xfe: {  	s26 =	simm.s32 $0x10980;
	s28 =	simm.s32 $0x4;
	[tilespmem:$0x10980] =	vst v0  }
0xff: {  	[spmem:s9] =	stream.linear.scatter [tilespmem:s26], [sflag:$0x4], $0x10, $0x38;
	[tilespmem:$0x13518] =	vst v63  }
0x100: {  	_ =	swait.ge [sflag:s28], $0x10  }
0x101: {  	[sflag:s28] =	ssyncset.done $0x0  }
0x102: {  	[sflag:s28] =	ssyncadd.s32 $0xFFFFFFF0  }
0x103: {  	s29 =	simm.s32 $0x10A00;
	[bflag:$0x0] =	sbarrier.arrive $0xFFFF  }
0x104: {  	[tilespmem:s29], [sflag:$0x4] =	stream.linear.gather [spmem:s6], $0x100, $0x38;
	[tilespmem:$0x13518] =	vst v63  }
0x105: {  	_ =	swait.ge [sflag:s28], $0x100  }
0x106: {  	[sflag:s28] =	ssyncset.done $0x0  }
0x107: {  	[sflag:s28] =	ssyncadd.s32 $0xFFFFFF00  }
0x108: {  	v0 =	vld [tilespmem:$0x10A00]  }
0x109: {  	v1 =	vld [tilespmem:$0x10A10]  }
0x10a: {  	v2 =	vld [tilespmem:$0x10A20]  }
0x10b: {  	v3 =	vld [tilespmem:$0x10A30]  }
0x10c: {  	v59 =	vld [tilespmem:$0x10A40]  }
0x10d: {  	v5 =	vld [tilespmem:$0x10A50];
	v0 =	vmax.f32 v0, $-1.000000020e+30  }
0x10e: {  	v0 =	vmax.f32 v0, v1;
	v1 =	vld [tilespmem:$0x10A60]  }
0x10f: {  	v0 =	vmax.f32 v0, v2;
	v2 =	vld [tilespmem:$0x10A70]  }
0x110: {  	v0 =	vmax.f32 v0, v3;
	v3 =	vld [tilespmem:$0x10A80]  }
0x111: {  	v60 =	vld [tilespmem:$0x10A90];
	v0 =	vmax.f32 v0, v59  }
0x112: {  	v61 =	vld [tilespmem:$0x10AA0];
	v0 =	vmax.f32 v0, v5  }
0x113: {  	v0 =	vmax.f32 v0, v1;
	v1 =	vld [tilespmem:$0x10AB0]  }
0x114: {  	v0 =	vmax.f32 v0, v2;
	v2 =	vld [tilespmem:$0x10AC0]  }
0x115: {  	v0 =	vmax.f32 v0, v3;
	v3 =	vld [tilespmem:$0x10AD0]  }
0x116: {  	v62 =	vld [tilespmem:$0x10AE0];
	v0 =	vmax.f32 v0, v60  }
0x117: {  	v63 =	vld [tilespmem:$0x10AF0];
	v0 =	vmax.f32 v0, v61  }
0x118: {  	v0 =	vmax.f32 v0, v1  }
0x119: {  	v0 =	vmax.f32 v0, v2  }
0x11a: {  	v0 =	vmax.f32 v0, v3  }
0x11b: {  	v0 =	vmax.f32 v0, v62  }
0x11c: {  	v0 =	vmax.f32 v0, v63  }
0x11d: {  	(xrf0) =	vmax.scan.msk.f32 $0xffff, v0;
	_ =	sdelay $0x2  }
0x11e: {  	s6 =	simm.s32 $0xFA80  }
0x11f: {  	v1 =	vld [tilespmem:s6+$0x0];
	_ =	sdelay $0x1  }
0x120: {  	v0, _, _ =	vpop (xrf0)  }
0x121: {  	v0 =	vbroadcast v0, $0xF;
	_ =	sdelay $0x1  }
0x122: {  	v1 =	vsub.f32 v1, v0;
	_ =	sdelay $0x1  }
0x123: {  	v1 =	vmul.f32 $1.442695020e+00, v1;
	_ =	sdelay $0x1  }
0x124: {  	(erf) = vpow2.f32 v1;
	_ =	sdelay $0x7  }
0x125: {  	s30 =	sadd.s32 $0x0, s5  }
0x126: {  	p6 =	slt.u32 s30, $0x2710;
	v1 =	vpop (erf)  }
0x127: {  	s7 =	simm.s32 $0x10200;
	v1 =	vpsel !p6, $0x0, v1  }
0x128: {  	s8 =	simm.s32 $0xFD00;
	[tilespmem:s7+$0x0] =	vst v1  }
0x129: {  	s31 =	simm.s32 $0x0;
	v2 =	vld [tilespmem:s8+$0x0]  }
0x12a: {  	s9 =	sand.u32 $0x70, s31;
	v1 =	vlaneseq.u32  }
0x12b: {  	v3 =	vmov s9;
	v1 =	vmul.u32 $0x40, v1  }
0x12c: {  	v3 =	vshll.u32 v3, $0x6  }
0x12d: {  	v3 =	vor.u32 v1, v3  }
0x12e: {  	s11 =	simm.s32 $0xFF80;
	s10 =	simm.s32 $0xFF90;
	s9 =	simm.s32 $0x10;
	v2 =	vadd.s32 v3, v2  }
.LBB2_7:
0x12f: {  	[tilespmem:s11+$0x0] =	vst v2;
	s6 =	sadd.s32 $0x10, s6;
	s7 =	sadd.s32 $0x10, s7;
	s8 =	sadd.s32 $0x10, s8  }
0x130: {  	p0 =	sne.s32 s9, $0x270;
	s12 =	smov.u32 s9;
	s9 =	sadd.s32 $0x10, s9;
	v2 =	vld [tilespmem:s6+$0x0]  }
0x131: {  	s11 =	smov.u32 s10;
	_ =	sdelay $0x3  }
0x132: {  	v2 =	vsub.f32 v2, v0;
	_ =	sdelay $0x1  }
0x133: {  	v2 =	vmul.f32 $1.442695020e+00, v2;
	_ =	sdelay $0x1  }
0x134: {  	(erf) = vpow2.f32 v2;
	_ =	sdelay $0x7  }
0x135: {  	s13 =	sadd.s32 s12, s5  }
0x136: {  	p1 =	slt.u32 s13, $0x2710;
	v2 =	vpop (erf)  }
0x137: {  	v2 =	vpsel !p1, $0x0, v2  }
0x138: {  	[tilespmem:s7+$0x0] =	vst v2  }
0x139: {  	v2 =	vld [tilespmem:s8+$0x0]  }
.Ltmp3:
0x13a: {  	s12 =	sand.u32 $0x70, s12;
	(pc) =	sbr.rel @p0 .LBB2_7-.Ltmp3, $4  }
0x13b: {  	v3 =	vmov s12  }
0x13c: {  	v3 =	vshll.u32 v3, $0x6  }
0x13d: {  	v3 =	vor.u32 v1, v3  }
0x13e: {  	s10 =	sadd.s32 $0x10, s10;
	v2 =	vadd.s32 v3, v2  }
0x13f: {  	[tilespmem:s11+$0x0] =	vst v2;
	s5 =	simm.s32 $0x280;
	s6 =	simm.s32 $0xFF80;
	s7 =	simm.s32 $0x10200  }
0x140: {  	[spmem:s2] =	stream.indirect.scatter.add.f32 [tilespmem:s7], [sflag:$0x4], $0x1, s6, s5, $0xb8;
	[tilespmem:$0x13518] =	vst v63  }
0x141: {  	p0 =	sne.s32 s4, $0x0;
	s5 =	simm.s32 $0x4  }
.Ltmp4:
0x142: {  	_ =	swait.ge [sflag:s5], $0x280;
	(pc) =	sbr.rel @p0 .LBB2_12-.Ltmp4, $3  }
0x143: {  	[sflag:s5] =	ssyncset.done $0x0  }
0x144: {  	[sflag:s5] =	ssyncadd.s32 $0xFFFFFD80  }
0x145: {  	[bflag:$0x0] =	sbarrier.arrive $0xFFFF;
	_ =	sdelay $0x1  }
0x146: {  	s4 =	simm.s32 $0x10B00  }
0x147: {  	[tilespmem:s4], [sflag:$0x4] =	stream.linear.gather [spmem:s2], $0x2000, $0x38;
	[tilespmem:$0x13518] =	vst v63  }
0x148: {  	_ =	swait.ge [sflag:s5], $0x2000  }
0x149: {  	[sflag:s5] =	ssyncset.done $0x0  }
0x14a: {  	s31 =	simm.s32 $0x0;
	[sflag:s5] =	ssyncadd.s32 $0xFFFFE000  }
0x14b: {  	v1 =	vld [tilespmem:s31+$0x10B30]  }
0x14c: {  	v2 =	vld [tilespmem:s31+$0x10B00]  }
0x14d: {  	v0 =	vimm.f32 $0.0e+00;
	v3 =	vld [tilespmem:s31+$0x10B10]  }
0x14e: {  	v5 =	vimm.f32 $0.0e+00;
	v6 =	vimm.f32 $0.0e+00;
	v7 =	vimm.f32 $0.0e+00;
	s2 =	simm.s32 $0x100;
	v4 =	vld [tilespmem:s31+$0x10B20]  }
.LBB2_10:
0x14f: {  	p1 =	sne.s32 s2, $0x7F00  }
.Ltmp5:
0x150: {  	s4 =	sshra.s32 s2, $0x2;
	s2 =	sadd.s32 $0x100, s2;
	v0 =	vadd.f32 v1, v0;
	(pc) =	sbr.rel @p1 .LBB2_10-.Ltmp5, $4  }
0x151: {  	v1 =	vld [tilespmem:s4+$0x10B30];
	v5 =	vadd.f32 v2, v5  }
0x152: {  	v2 =	vld [tilespmem:s4+$0x10B00];
	v6 =	vadd.f32 v3, v6  }
0x153: {  	v3 =	vld [tilespmem:s4+$0x10B10];
	v7 =	vadd.f32 v4, v7  }
0x154: {  	v4 =	vld [tilespmem:s4+$0x10B20]  }
0x155: {  	_ = 	snop  }
0x156: {  	v0 =	vadd.f32 v1, v0  }
0x157: {  	v2 =	vadd.f32 v2, v5  }
0x158: {  	v3 =	vadd.f32 v3, v6;
	[tilespmem:$0x12B30] =	vst v0  }
0x159: {  	v4 =	vadd.f32 v4, v7;
	[tilespmem:$0x12B00] =	vst v2  }
0x15a: {  	[tilespmem:$0x12B10] =	vst v3  }
0x15b: {  	s2 =	simm.s32 $0x12B00;
	s31 =	simm.s32 $0x4;
	[tilespmem:$0x12B20] =	vst v4  }
0x15c: {  	[spmem:s1] =	stream.linear.scatter [tilespmem:s2], [sflag:$0x4], $0x80, $0x38;
	[tilespmem:$0x13518] =	vst v63  }
0x15d: {  	_ =	swait.ge [sflag:s31], $0x80  }
0x15e: {  	[sflag:s31] =	ssyncset.done $0x0  }
0x15f: {  	[sflag:s31] =	ssyncadd.s32 $0xFFFFFF80  }
.LBB2_12:
0x160: {  	[bflag:$0x0] =	sbarrier.arrive $0xFFFF;
	s2 =	simm.s32 $0x12B00  }
0x161: {  	[tilespmem:s2], [sflag:$0x4] =	stream.linear.gather [spmem:s1], $0x80, $0x38;
	[tilespmem:$0x13518] =	vst v63  }
0x162: {  	_ =	swait.ge [sflag:s5], $0x80  }
0x163: {  	[sflag:s5] =	ssyncset.done $0x0  }
0x164: {  	s1 =	simm.s32 $0x0;
	[sflag:s5] =	ssyncadd.s32 $0xFFFFFF80  }
0x165: {  	v0 =	vld [tilespmem:s1+$0xFD00];
	_ =	sdelay $0x7  }
0x166: {  	v0 =	vld.idx.msk [tilespmem:v0+s2+$0x0], $0xffff;
	_ =	sdelay $0x4  }
0x167: {  	v0 =	vadd.f32 $1.000000020e-16, v0;
	_ =	sdelay $0x1  }
0x168: {  	(erf) = vrcp.f32 v0;
	_ =	sdelay $0x3  }
0x169: {  	s4 =	simm.s32 $0x80;
	s5 =	simm.s32 $0x10;
	v0 =	vld [tilespmem:s1+$0x10200]  }
.LBB2_13:
0x16a: {  	p1 =	sne.s32 s4, $0x9C0;
	v1 =	vld [tilespmem:s5+$0xFD00];
	_ =	sdelay $0x3  }
0x16b: {  	v2 =	vpop (erf)  }
0x16c: {  	v0 =	vmul.f32 v2, v0;
	_ =	sdelay $0x1  }
0x16d: {  	[tilespmem:s1+$0x10480] =	vst v0;
	s1 =	smov.u32 s5  }
0x16e: {  	v0 =	vld.idx.msk [tilespmem:v1+s2+$0x0], $0xffff;
	_ =	sdelay $0x5  }
0x16f: {  	v0 =	vadd.f32 $1.000000020e-16, v0;
	_ =	sdelay $0x1  }
.Ltmp6:
0x170: {  	(erf) = vrcp.f32 v0;
	(pc) =	sbr.rel @p1 .LBB2_13-.Ltmp6, $2  }
0x171: {  	_ =	sdelay $0x2  }
0x172: {  	s5 =	sshra.s32 s4, $0x2;
	s4 =	sadd.s32 $0x40, s4;
	v0 =	vld [tilespmem:s1+$0x10200]  }
0x173: {  	v1 =	vld [tilespmem:s5+$0xFD00];
	_ =	sdelay $0x3  }
0x174: {  	v2 =	vpop (erf)  }
0x175: {  	v0 =	vmul.f32 v2, v0;
	_ =	sdelay $0x1  }
0x176: {  	[tilespmem:s1+$0x10480] =	vst v0  }
0x177: {  	v0 =	vld.idx.msk [tilespmem:v1+s2+$0x0], $0xffff;
	_ =	sdelay $0x4  }
0x178: {  	v0 =	vadd.f32 $1.000000020e-16, v0;
	_ =	sdelay $0x1  }
0x179: {  	(erf) = vrcp.f32 v0;
	_ =	sdelay $0x4  }
0x17a: {  	v62 =	vld [tilespmem:s5+$0x10200];
	_ =	sdelay $0x3  }
0x17b: {  	v63 =	vpop (erf)  }
0x17c: {  	v0 =	vmul.f32 v63, v62;
	_ =	sdelay $0x1  }
0x17d: {  	s29 =	simm.s32 $0x0;
	s30 =	simm.s32 $0x10480;
	s31 =	simm.s32 $0x4;
	[tilespmem:s5+$0x10480] =	vst v0  }
0x17e: {  	[hbm4b:s3+s29] =	stream.linear.scatter [tilespmem:s30], [sflag:$0x4], $0x280, $0x38;
	[tilespmem:$0x13518] =	vst v63  }
0x17f: {  	_ =	swait.ge [sflag:s31], $0x280  }
0x180: {  	[sflag:s31] =	ssyncset.done $0x0  }
0x181: {  	[sflag:s31] =	ssyncadd.s32 $0xFFFFFD80  }
0x182: {  	_ =	sfence.sel $0x180000  }
0x183: {  	[bflag:$0x0] =	sbarrier.arrive $0xFFFF  }
0x184: {  	_ =	strace $0x90000047  }
0x185: {  	s0 =	sadd.s32 @!p0 $0x100000, s0;
	[bflag:$0x2] =	sbarrier.arrive $0xFFFF  }
0x186: {  	[sflag:s0] =	ssyncadd.tile.s32 @!p0 $0x1;
	_ =	shalt  }
.Lfunc_end2:
_tile_overlayer_lowered:
.L_overlay_start_2:
0x187: {  	(tag) =	ssettag $0x2  }
0x188: {  	s0 =	rddreg [dreg:$0x0];
	s2 =	stileid.u32  }
0x189: {  	s1 =	rddreg [dreg:$0x1];
	p0 =	sne.s32 s2, $0x0  }
0x18a: {  	s3 =	rddreg [dreg:$0x2];
	[bflag:$0x3] =	sbarrier.arrive $0xFFFF;
	s2 =	simm.s32 @!p0 $0x1C04  }
0x18b: {  	[timem:s3], [sflag:s2] =	dma.local @!p0 [hbm:s0], s1  }
0x18c: {  	s0 =	simm.s32 @!p0 $0x4  }
0x18d: {  	_ =	swait.ge @!p0 [sflag:s0], s1  }
0x18e: {  	s1 =	ssub.s32 @!p0 $0x0, s1;
	[sflag:s0] =	ssyncset.done @!p0 $0x0  }
0x18f: {  	[sflag:s0] =	ssyncadd.s32 @!p0 s1  }
0x190: {  	[bflag:$0x3] =	sbarrier.arrive $0xFFFF  }
0x191: {  	_ =	shalt  }

</sc_bundles>
